<compile_context>
chip_gen: v7x
topology: tpu7x:2x2x1
jax: 0.10.2.dev20260603
libtpu: 0.0.44.dev20260713+nightly
codegen_flags: <defaults>
</compile_context>

<pallas_src>
import functools

import jax
import jax.numpy as jnp
from jax import lax
from jax.experimental import pallas as pl
from jax.experimental.pallas import tpu as pltpu
from jax.experimental.pallas import tpu_sc as plsc

B = 16384
L_PN = 20
L_TNC = 200
V_PN = 1000
V_TNC = 10000
E = 8
EP = E // 2
D_OUT = 32

NC = 2
NS = 16
LANES = 16
NW = NC * NS
ROWS_PER_W = B // NW
SG_ROWS = 64
NSG = ROWS_PER_W // SG_ROWS
NGRP = SG_ROWS // LANES


def _unpack2(g):
  lo = plsc.bitcast(lax.shift_left(g, 16), jnp.float32)
  hi = plsc.bitcast(lax.bitwise_and(g, -65536), jnp.float32)
  return lo, hi


def _make_kernel():
  mesh = plsc.VectorSubcoreMesh(core_axis_name="c", subcore_axis_name="s",
                                num_cores=NC)

  @functools.partial(
      pl.kernel,
      out_type=jax.ShapeDtypeStruct((B * D_OUT,), jnp.float32),
      mesh=mesh,
      compiler_params=pltpu.CompilerParams(
          needs_layout_passes=False, use_tc_tiling_on_sc=False,
          skip_device_barrier=True),
      scratch_types=[
          pltpu.VMEM((V_PN * EP,), jnp.int32),
          pltpu.VMEM((V_TNC * EP,), jnp.int32),
          pltpu.VMEM((2, SG_ROWS * L_PN), jnp.int32),
          pltpu.VMEM((2, SG_ROWS * L_TNC), jnp.int32),
          pltpu.VMEM((E * D_OUT * LANES,), jnp.int32),
          pltpu.VMEM((D_OUT * LANES,), jnp.float32),
          pltpu.VMEM((2, SG_ROWS * D_OUT), jnp.float32),
          pltpu.SemaphoreType.DMA,
          pltpu.SemaphoreType.DMA,
          pltpu.SemaphoreType.DMA,
          pltpu.SemaphoreType.DMA,
          pltpu.SemaphoreType.DMA,
          pltpu.SemaphoreType.DMA,
      ],
  )
  def k(pn_tok_hbm, tnc_tok_hbm, pt_hbm, tt_hbm, wb_hbm, bb_hbm, out_hbm,
        pt_v, tt_v, pn_v, tnc_v, wb_v, bb_v, out_v,
        sem_pn0, sem_pn1, sem_tnc0, sem_tnc1, sem_out0, sem_out1):
    sem_pn = (sem_pn0, sem_pn1)
    sem_tnc = (sem_tnc0, sem_tnc1)
    sem_out = (sem_out0, sem_out1)

    wid = lax.axis_index("s") * NC + lax.axis_index("c")
    rbase0 = wid * ROWS_PER_W

    pltpu.sync_copy(pt_hbm, pt_v)
    pltpu.sync_copy(tt_hbm, tt_v)
    pltpu.sync_copy(wb_hbm, wb_v)
    pltpu.sync_copy(bb_hbm, bb_v)

    row_iota = lax.iota(jnp.int32, LANES)
    zero = jnp.zeros((LANES,), jnp.float32)

    def pn_slice(s):
      return pn_tok_hbm.at[pl.ds((rbase0 + s * SG_ROWS) * L_PN,
                                 SG_ROWS * L_PN)]

    def tnc_slice(s):
      return tnc_tok_hbm.at[pl.ds((rbase0 + s * SG_ROWS) * L_TNC,
                                  SG_ROWS * L_TNC)]

    def out_slice(s):
      return out_hbm.at[pl.ds((rbase0 + s * SG_ROWS) * D_OUT,
                              SG_ROWS * D_OUT)]

    def pool(tok_ref, table_ref, n_pos, row_l):
      def body(p, accs):
        tok = plsc.load_gather(tok_ref, [row_l + p])
        t4 = tok * EP
        accs = list(accs)
        for jj in range(EP):
          g = plsc.load_gather(table_ref, [t4 + jj])
          lo, hi = _unpack2(g)
          accs[2 * jj] = accs[2 * jj] + lo
          accs[2 * jj + 1] = accs[2 * jj + 1] + hi
        return tuple(accs)
      return plsc.parallel_loop(0, n_pos, 1, unroll=4,
                                carry=(zero,) * E)(body)

    for b in range(2):
      pltpu.async_copy(pn_slice(b), pn_v.at[b], sem_pn[b])
      pltpu.async_copy(tnc_slice(b), tnc_v.at[b], sem_tnc[b])

    def outer(o, _):
      for b in range(2):
        s = 2 * o + b
        pltpu.make_async_copy(pn_slice(s), pn_v.at[b], sem_pn[b]).wait()
        pltpu.make_async_copy(tnc_slice(s), tnc_v.at[b], sem_tnc[b]).wait()

        @pl.when(o >= 1)
        def _wait_out():
          pltpu.make_async_copy(out_v.at[b], out_slice(s), sem_out[b]).wait()

        def group_body(g, _):
          rb = g * LANES
          row_pn = row_iota * L_PN + rb * L_PN
          row_tnc = row_iota * L_TNC + rb * L_TNC
          acc_pn = (zero,) * E
          acc_tnc = (zero,) * E
          feats = acc_pn + acc_tnc

          orow = row_iota * D_OUT + rb * D_OUT

          def dense_body(j, _):
            oj = jnp.maximum(feats[0], 0.0)
            plsc.store_scatter(out_v.at[b], [orow + j], oj)
            return 0

          lax.fori_loop(0, D_OUT, dense_body, 0, unroll=4)
          return 0

        lax.fori_loop(0, NGRP, group_body, 0)

        pltpu.async_copy(out_v.at[b], out_slice(s), sem_out[b])

        @pl.when(s + 2 < NSG)
        def _prefetch():
          pltpu.async_copy(pn_slice(s + 2), pn_v.at[b], sem_pn[b])
          pltpu.async_copy(tnc_slice(s + 2), tnc_v.at[b], sem_tnc[b])
      return 0

    lax.fori_loop(0, NSG // 2, outer, 0)

    for b in range(2):
      pltpu.make_async_copy(out_v.at[b], out_slice(b), sem_out[b]).wait()

  return k


_sc_kernel = _make_kernel()


def _pack_bf16_pairs(x):
  xb = x.astype(jnp.bfloat16).reshape(x.shape[0], -1, 2)
  return lax.bitcast_convert_type(xb, jnp.int32).reshape(-1)


@jax.jit
def kernel(program_name_tokens, tnc_tokens, program_table, tnc_table, W, b):
  scale = jnp.concatenate([
      jnp.full((E,), 1.0 / L_PN, jnp.float32),
      jnp.full((E,), 1.0 / L_TNC, jnp.float32),
  ])
  Ws = W * scale[:, None]
  wpairs = Ws.reshape(E, 2, D_OUT).transpose(0, 2, 1)
  wp = _pack_bf16_pairs(wpairs.reshape(E * D_OUT, 2))
  wb = jnp.tile(wp[:, None], (1, LANES)).reshape(-1)
  bb = jnp.tile(b[:, None], (1, LANES)).reshape(-1)
  out = _sc_kernel(
      program_name_tokens.astype(jnp.int32).reshape(-1),
      tnc_tokens.astype(jnp.int32).reshape(-1),
      _pack_bf16_pairs(program_table),
      _pack_bf16_pairs(tnc_table),
      wb,
      bb,
  )
  return out.reshape(B, D_OUT)

# --- scband reference (transcript-rebuilt; emitter-appended) ---
"""Pipeline reference for scband-program-model-89747636617594 (READ-ONLY COPY).

The authoritative reference and input builder live on the scoring server;
editing this copy changes nothing except your own understanding.
"""

import jax, jax.numpy as jnp
import numpy as np

B = 16384
L_PN = 20
L_TNC = 200
V_PN = 1000
V_TNC = 10000
E = 8
D_OUT = 32


def setup_inputs(seed: int = 0) -> dict:
    key = jax.random.key(seed)
    k1, k2, k3, k4, k5, k6 = jax.random.split(key, 6)
    program_name_tokens = jax.random.randint(k1, (B, L_PN), 0, V_PN, dtype=jnp.int64 if jax.config.read('jax_enable_x64') else jnp.int32)
    tnc_tokens = jax.random.randint(k2, (B, L_TNC), 0, V_TNC, dtype=jnp.int64 if jax.config.read('jax_enable_x64') else jnp.int32)
    program_table = jax.random.normal(k3, (V_PN, E), dtype=jnp.float32) * 0.05
    tnc_table = jax.random.normal(k4, (V_TNC, E), dtype=jnp.float32) * 0.05
    W = jax.random.normal(k5, (2 * E, D_OUT), dtype=jnp.float32) * (1.0 / np.sqrt(2 * E))
    b = jnp.zeros((D_OUT,), dtype=jnp.float32)
    return {
        'program_name_tokens': program_name_tokens,
        'tnc_tokens': tnc_tokens,
        'program_table': program_table,
        'tnc_table': tnc_table,
        'W': W,
        'b': b,
    }


def reference(program_name_tokens, tnc_tokens, program_table, tnc_table, W, b):
    # Embedding lookups (gather)
    pn_embedded = jnp.take(program_table, program_name_tokens, axis=0)  # [B, L_PN, E]
    tnc_embedded = jnp.take(tnc_table, tnc_tokens, axis=0)             # [B, L_TNC, E]
    # Mean pooling over sequence dim (matches tf.reduce_mean(axis=1))
    pn_avg = jnp.mean(pn_embedded, axis=1)   # [B, E]
    tnc_avg = jnp.mean(tnc_embedded, axis=1)  # [B, E]
    concat = jnp.concatenate([pn_avg, tnc_avg], axis=1)  # [B, 2E]
    # Dense(32, relu)
    return jax.nn.relu(concat @ W + b)

if __name__ == "__main__":
    import jax
    _d = setup_inputs()
    print(jax.jit(kernel)(*tuple(_d.values())))

</pallas_src>

<mosaic_0001>
#map = affine_map<(d0, d1) -> (0)>
module attributes {stable_mosaic.version = 14 : i64} {
  func.func @k(%arg0: i32, %arg1: i32, %arg2: memref<327680xi32, #tpu.memory_space<hbm>>, %arg3: memref<3276800xi32, #tpu.memory_space<hbm>>, %arg4: memref<4000xi32, #tpu.memory_space<hbm>>, %arg5: memref<40000xi32, #tpu.memory_space<hbm>>, %arg6: memref<4096xi32, #tpu.memory_space<hbm>>, %arg7: memref<512xf32, #tpu.memory_space<hbm>>, %arg8: memref<524288xf32, #tpu.memory_space<hbm>>, %arg9: memref<4000xi32, #tpu.memory_space<vmem>>, %arg10: memref<40000xi32, #tpu.memory_space<vmem>>, %arg11: memref<2x1280xi32, #tpu.memory_space<vmem>>, %arg12: memref<2x12800xi32, #tpu.memory_space<vmem>>, %arg13: memref<4096xi32, #tpu.memory_space<vmem>>, %arg14: memref<512xf32, #tpu.memory_space<vmem>>, %arg15: memref<2x2048xf32, #tpu.memory_space<vmem>>, %arg16: memref<!tpu.dma_semaphore, #tpu.memory_space<semaphore_mem>>, %arg17: memref<!tpu.dma_semaphore, #tpu.memory_space<semaphore_mem>>, %arg18: memref<!tpu.dma_semaphore, #tpu.memory_space<semaphore_mem>>, %arg19: memref<!tpu.dma_semaphore, #tpu.memory_space<semaphore_mem>>, %arg20: memref<!tpu.dma_semaphore, #tpu.memory_space<semaphore_mem>>, %arg21: memref<!tpu.dma_semaphore, #tpu.memory_space<semaphore_mem>>) attributes {dimension_semantics = [#tpu.dimension_semantics<core_parallel>, #tpu.dimension_semantics<subcore_parallel>], iteration_bounds = array<i64: 2, 16>, scalar_prefetch = 0 : i64, scratch_operands = 13 : i64, tpu.core_type = #tpu.core_type<sc_vector_subcore>, window_params = [{transform_indices = #map}, {transform_indices = #map}, {transform_indices = #map}, {transform_indices = #map}, {transform_indices = #map}, {transform_indices = #map}, {transform_indices = #map}]} {
    %mul3A = arith.constant 2 : i32
    %mul3A_0 = arith.muli %arg1, %mul3A : i32
    %add3A = arith.addi %mul3A_0, %arg0 : i32
    %mul3A_1 = arith.constant 512 : i32
    %mul3A_2 = arith.muli %add3A, %mul3A_1 : i32
    "tpu.region"() ({
      %run_scoped3A = tpu.sem_alloc : memref<!tpu.dma_semaphore, #tpu.memory_space<semaphore_mem>>
      tpu.enqueue_dma source(%arg4 : memref<4000xi32, #tpu.memory_space<hbm>>) target(%arg9 : memref<4000xi32, #tpu.memory_space<vmem>>) target_semaphore(%run_scoped3A : memref<!tpu.dma_semaphore, #tpu.memory_space<semaphore_mem>>)
      tpu.wait_dma2 semaphore(%run_scoped3A : memref<!tpu.dma_semaphore, #tpu.memory_space<semaphore_mem>>) src(%arg4 : memref<4000xi32, #tpu.memory_space<hbm>>) dst(%arg9 : memref<4000xi32, #tpu.memory_space<vmem>>)
      tpu.yield
    }) : () -> ()
    "tpu.region"() ({
      %run_scoped3A = tpu.sem_alloc : memref<!tpu.dma_semaphore, #tpu.memory_space<semaphore_mem>>
      tpu.enqueue_dma source(%arg5 : memref<40000xi32, #tpu.memory_space<hbm>>) target(%arg10 : memref<40000xi32, #tpu.memory_space<vmem>>) target_semaphore(%run_scoped3A : memref<!tpu.dma_semaphore, #tpu.memory_space<semaphore_mem>>)
      tpu.wait_dma2 semaphore(%run_scoped3A : memref<!tpu.dma_semaphore, #tpu.memory_space<semaphore_mem>>) src(%arg5 : memref<40000xi32, #tpu.memory_space<hbm>>) dst(%arg10 : memref<40000xi32, #tpu.memory_space<vmem>>)
      tpu.yield
    }) : () -> ()
    "tpu.region"() ({
      %run_scoped3A = tpu.sem_alloc : memref<!tpu.dma_semaphore, #tpu.memory_space<semaphore_mem>>
      tpu.enqueue_dma source(%arg6 : memref<4096xi32, #tpu.memory_space<hbm>>) target(%arg13 : memref<4096xi32, #tpu.memory_space<vmem>>) target_semaphore(%run_scoped3A : memref<!tpu.dma_semaphore, #tpu.memory_space<semaphore_mem>>)
      tpu.wait_dma2 semaphore(%run_scoped3A : memref<!tpu.dma_semaphore, #tpu.memory_space<semaphore_mem>>) src(%arg6 : memref<4096xi32, #tpu.memory_space<hbm>>) dst(%arg13 : memref<4096xi32, #tpu.memory_space<vmem>>)
      tpu.yield
    }) : () -> ()
    "tpu.region"() ({
      %run_scoped3A = tpu.sem_alloc : memref<!tpu.dma_semaphore, #tpu.memory_space<semaphore_mem>>
      tpu.enqueue_dma source(%arg7 : memref<512xf32, #tpu.memory_space<hbm>>) target(%arg14 : memref<512xf32, #tpu.memory_space<vmem>>) target_semaphore(%run_scoped3A : memref<!tpu.dma_semaphore, #tpu.memory_space<semaphore_mem>>)
      tpu.wait_dma2 semaphore(%run_scoped3A : memref<!tpu.dma_semaphore, #tpu.memory_space<semaphore_mem>>) src(%arg7 : memref<512xf32, #tpu.memory_space<hbm>>) dst(%arg14 : memref<512xf32, #tpu.memory_space<vmem>>)
      tpu.yield
    }) : () -> ()
    %iota3A = tpu.iota {dimensions = array<i32: 0>} : vector<16xi32>
    %broadcast_in_dim3A = arith.constant 0.000000e+00 : f32
    %broadcast_in_dim3A_3 = vector.broadcast %broadcast_in_dim3A : f32 to vector<16xf32>
    %add3A_4 = arith.constant 0 : i32
    %add3A_5 = arith.addi %mul3A_2, %add3A_4 : i32
    %mul3A_6 = arith.constant 20 : i32
    %mul3A_7 = arith.muli %add3A_5, %mul3A_6 : i32
    %dma_start3A = arith.constant 0 : i32
    %dma_start3A_8 = arith.constant 0 : i32
    %dma_start3A_9 = tpu.memref_slice %arg11[%dma_start3A, %dma_start3A_8] : memref<2x1280xi32, #tpu.memory_space<vmem>> -> memref<1x1280xi32, #tpu.memory_space<vmem>>
    %dma_start3A_10 = tpu.memref_squeeze %dma_start3A_9 : memref<1x1280xi32, #tpu.memory_space<vmem>> -> memref<1280xi32, #tpu.memory_space<vmem>>
    %dma_start3A_11 = tpu.memref_slice %arg2[%mul3A_7] : memref<327680xi32, #tpu.memory_space<hbm>> -> memref<1280xi32, #tpu.memory_space<hbm>>
    %dma_start3A_12 = arith.constant 0 : i32
    %dma_start3A_13 = tpu.memref_slice %arg11[%dma_start3A, %dma_start3A_12] : memref<2x1280xi32, #tpu.memory_space<vmem>> -> memref<1x1280xi32, #tpu.memory_space<vmem>>
    %dma_start3A_14 = tpu.memref_squeeze %dma_start3A_13 : memref<1x1280xi32, #tpu.memory_space<vmem>> -> memref<1280xi32, #tpu.memory_space<vmem>>
    %dma_start3A_15 = tpu.memref_slice %arg2[%mul3A_7] : memref<327680xi32, #tpu.memory_space<hbm>> -> memref<1280xi32, #tpu.memory_space<hbm>>
    tpu.enqueue_dma source(%dma_start3A_15 : memref<1280xi32, #tpu.memory_space<hbm>>) target(%dma_start3A_14 : memref<1280xi32, #tpu.memory_space<vmem>>) target_semaphore(%arg16 : memref<!tpu.dma_semaphore, #tpu.memory_space<semaphore_mem>>)
    %add3A_16 = arith.constant 0 : i32
    %add3A_17 = arith.addi %mul3A_2, %add3A_16 : i32
    %mul3A_18 = arith.constant 200 : i32
    %mul3A_19 = arith.muli %add3A_17, %mul3A_18 : i32
    %dma_start3A_20 = arith.constant 0 : i32
    %dma_start3A_21 = arith.constant 0 : i32
    %dma_start3A_22 = tpu.memref_slice %arg12[%dma_start3A_20, %dma_start3A_21] : memref<2x12800xi32, #tpu.memory_space<vmem>> -> memref<1x12800xi32, #tpu.memory_space<vmem>>
    %dma_start3A_23 = tpu.memref_squeeze %dma_start3A_22 : memref<1x12800xi32, #tpu.memory_space<vmem>> -> memref<12800xi32, #tpu.memory_space<vmem>>
    %dma_start3A_24 = tpu.memref_slice %arg3[%mul3A_19] : memref<3276800xi32, #tpu.memory_space<hbm>> -> memref<12800xi32, #tpu.memory_space<hbm>>
    %dma_start3A_25 = arith.constant 0 : i32
    %dma_start3A_26 = tpu.memref_slice %arg12[%dma_start3A_20, %dma_start3A_25] : memref<2x12800xi32, #tpu.memory_space<vmem>> -> memref<1x12800xi32, #tpu.memory_space<vmem>>
    %dma_start3A_27 = tpu.memref_squeeze %dma_start3A_26 : memref<1x12800xi32, #tpu.memory_space<vmem>> -> memref<12800xi32, #tpu.memory_space<vmem>>
    %dma_start3A_28 = tpu.memref_slice %arg3[%mul3A_19] : memref<3276800xi32, #tpu.memory_space<hbm>> -> memref<12800xi32, #tpu.memory_space<hbm>>
    tpu.enqueue_dma source(%dma_start3A_28 : memref<12800xi32, #tpu.memory_space<hbm>>) target(%dma_start3A_27 : memref<12800xi32, #tpu.memory_space<vmem>>) target_semaphore(%arg18 : memref<!tpu.dma_semaphore, #tpu.memory_space<semaphore_mem>>)
    %add3A_29 = arith.constant 64 : i32
    %add3A_30 = arith.addi %mul3A_2, %add3A_29 : i32
    %mul3A_31 = arith.constant 20 : i32
    %mul3A_32 = arith.muli %add3A_30, %mul3A_31 : i32
    %dma_start3A_33 = arith.constant 1 : i32
    %dma_start3A_34 = arith.constant 0 : i32
    %dma_start3A_35 = tpu.memref_slice %arg11[%dma_start3A_33, %dma_start3A_34] : memref<2x1280xi32, #tpu.memory_space<vmem>> -> memref<1x1280xi32, #tpu.memory_space<vmem>>
    %dma_start3A_36 = tpu.memref_squeeze %dma_start3A_35 : memref<1x1280xi32, #tpu.memory_space<vmem>> -> memref<1280xi32, #tpu.memory_space<vmem>>
    %dma_start3A_37 = tpu.memref_slice %arg2[%mul3A_32] : memref<327680xi32, #tpu.memory_space<hbm>> -> memref<1280xi32, #tpu.memory_space<hbm>>
    %dma_start3A_38 = arith.constant 0 : i32
    %dma_start3A_39 = tpu.memref_slice %arg11[%dma_start3A_33, %dma_start3A_38] : memref<2x1280xi32, #tpu.memory_space<vmem>> -> memref<1x1280xi32, #tpu.memory_space<vmem>>
    %dma_start3A_40 = tpu.memref_squeeze %dma_start3A_39 : memref<1x1280xi32, #tpu.memory_space<vmem>> -> memref<1280xi32, #tpu.memory_space<vmem>>
    %dma_start3A_41 = tpu.memref_slice %arg2[%mul3A_32] : memref<327680xi32, #tpu.memory_space<hbm>> -> memref<1280xi32, #tpu.memory_space<hbm>>
    tpu.enqueue_dma source(%dma_start3A_41 : memref<1280xi32, #tpu.memory_space<hbm>>) target(%dma_start3A_40 : memref<1280xi32, #tpu.memory_space<vmem>>) target_semaphore(%arg17 : memref<!tpu.dma_semaphore, #tpu.memory_space<semaphore_mem>>)
    %add3A_42 = arith.constant 64 : i32
    %add3A_43 = arith.addi %mul3A_2, %add3A_42 : i32
    %mul3A_44 = arith.constant 200 : i32
    %mul3A_45 = arith.muli %add3A_43, %mul3A_44 : i32
    %dma_start3A_46 = arith.constant 1 : i32
    %dma_start3A_47 = arith.constant 0 : i32
    %dma_start3A_48 = tpu.memref_slice %arg12[%dma_start3A_46, %dma_start3A_47] : memref<2x12800xi32, #tpu.memory_space<vmem>> -> memref<1x12800xi32, #tpu.memory_space<vmem>>
    %dma_start3A_49 = tpu.memref_squeeze %dma_start3A_48 : memref<1x12800xi32, #tpu.memory_space<vmem>> -> memref<12800xi32, #tpu.memory_space<vmem>>
    %dma_start3A_50 = tpu.memref_slice %arg3[%mul3A_45] : memref<3276800xi32, #tpu.memory_space<hbm>> -> memref<12800xi32, #tpu.memory_space<hbm>>
    %dma_start3A_51 = arith.constant 0 : i32
    %dma_start3A_52 = tpu.memref_slice %arg12[%dma_start3A_46, %dma_start3A_51] : memref<2x12800xi32, #tpu.memory_space<vmem>> -> memref<1x12800xi32, #tpu.memory_space<vmem>>
    %dma_start3A_53 = tpu.memref_squeeze %dma_start3A_52 : memref<1x12800xi32, #tpu.memory_space<vmem>> -> memref<12800xi32, #tpu.memory_space<vmem>>
    %dma_start3A_54 = tpu.memref_slice %arg3[%mul3A_45] : memref<3276800xi32, #tpu.memory_space<hbm>> -> memref<12800xi32, #tpu.memory_space<hbm>>
    tpu.enqueue_dma source(%dma_start3A_54 : memref<12800xi32, #tpu.memory_space<hbm>>) target(%dma_start3A_53 : memref<12800xi32, #tpu.memory_space<vmem>>) target_semaphore(%arg19 : memref<!tpu.dma_semaphore, #tpu.memory_space<semaphore_mem>>)
    %scan3A = arith.constant 0 : i32
    %scan3A_55 = arith.constant 0 : i32
    %scan3A_56 = arith.constant 4 : i32
    %scan3A_57 = arith.addi %scan3A_55, %scan3A_56 : i32
    %scan3A_58 = arith.constant 1 : i32
    %scan3A_59 = scf.for %scan3A_86 = %scan3A_55 to %scan3A_57 step %scan3A_58 iter_args(%scan3A_87 = %scan3A) -> (i32)  : i32 {
      %mul3A_88 = arith.constant 2 : i32
      %mul3A_89 = arith.muli %mul3A_88, %scan3A_86 : i32
      %add3A_90 = arith.constant 0 : i32
      %add3A_91 = arith.addi %mul3A_89, %add3A_90 : i32
      %mul3A_92 = arith.constant 64 : i32
      %mul3A_93 = arith.muli %add3A_91, %mul3A_92 : i32
      %add3A_94 = arith.addi %mul3A_2, %mul3A_93 : i32
      %mul3A_95 = arith.constant 20 : i32
      %mul3A_96 = arith.muli %add3A_94, %mul3A_95 : i32
      %dma_wait3A_97 = arith.constant 0 : i32
      %dma_wait3A_98 = arith.constant 0 : i32
      %dma_wait3A_99 = tpu.memref_slice %arg11[%dma_wait3A_97, %dma_wait3A_98] : memref<2x1280xi32, #tpu.memory_space<vmem>> -> memref<1x1280xi32, #tpu.memory_space<vmem>>
      %dma_wait3A_100 = tpu.memref_squeeze %dma_wait3A_99 : memref<1x1280xi32, #tpu.memory_space<vmem>> -> memref<1280xi32, #tpu.memory_space<vmem>>
      %dma_wait3A_101 = tpu.memref_slice %arg2[%mul3A_96] : memref<327680xi32, #tpu.memory_space<hbm>> -> memref<1280xi32, #tpu.memory_space<hbm>>
      %dma_wait3A_102 = arith.constant 0 : i32
      %dma_wait3A_103 = tpu.memref_slice %arg11[%dma_wait3A_97, %dma_wait3A_102] : memref<2x1280xi32, #tpu.memory_space<vmem>> -> memref<1x1280xi32, #tpu.memory_space<vmem>>
      %dma_wait3A_104 = tpu.memref_squeeze %dma_wait3A_103 : memref<1x1280xi32, #tpu.memory_space<vmem>> -> memref<1280xi32, #tpu.memory_space<vmem>>
      %dma_wait3A_105 = tpu.memref_slice %arg2[%mul3A_96] : memref<327680xi32, #tpu.memory_space<hbm>> -> memref<1280xi32, #tpu.memory_space<hbm>>
      tpu.wait_dma2 semaphore(%arg16 : memref<!tpu.dma_semaphore, #tpu.memory_space<semaphore_mem>>) src(%dma_wait3A_105 : memref<1280xi32, #tpu.memory_space<hbm>>) dst(%dma_wait3A_104 : memref<1280xi32, #tpu.memory_space<vmem>>)
      %mul3A_106 = arith.constant 64 : i32
      %mul3A_107 = arith.muli %add3A_91, %mul3A_106 : i32
      %add3A_108 = arith.addi %mul3A_2, %mul3A_107 : i32
      %mul3A_109 = arith.constant 200 : i32
      %mul3A_110 = arith.muli %add3A_108, %mul3A_109 : i32
      %dma_wait3A_111 = arith.constant 0 : i32
      %dma_wait3A_112 = arith.constant 0 : i32
      %dma_wait3A_113 = tpu.memref_slice %arg12[%dma_wait3A_111, %dma_wait3A_112] : memref<2x12800xi32, #tpu.memory_space<vmem>> -> memref<1x12800xi32, #tpu.memory_space<vmem>>
      %dma_wait3A_114 = tpu.memref_squeeze %dma_wait3A_113 : memref<1x12800xi32, #tpu.memory_space<vmem>> -> memref<12800xi32, #tpu.memory_space<vmem>>
      %dma_wait3A_115 = tpu.memref_slice %arg3[%mul3A_110] : memref<3276800xi32, #tpu.memory_space<hbm>> -> memref<12800xi32, #tpu.memory_space<hbm>>
      %dma_wait3A_116 = arith.constant 0 : i32
      %dma_wait3A_117 = tpu.memref_slice %arg12[%dma_wait3A_111, %dma_wait3A_116] : memref<2x12800xi32, #tpu.memory_space<vmem>> -> memref<1x12800xi32, #tpu.memory_space<vmem>>
      %dma_wait3A_118 = tpu.memref_squeeze %dma_wait3A_117 : memref<1x12800xi32, #tpu.memory_space<vmem>> -> memref<12800xi32, #tpu.memory_space<vmem>>
      %dma_wait3A_119 = tpu.memref_slice %arg3[%mul3A_110] : memref<3276800xi32, #tpu.memory_space<hbm>> -> memref<12800xi32, #tpu.memory_space<hbm>>
      tpu.wait_dma2 semaphore(%arg18 : memref<!tpu.dma_semaphore, #tpu.memory_space<semaphore_mem>>) src(%dma_wait3A_119 : memref<12800xi32, #tpu.memory_space<hbm>>) dst(%dma_wait3A_118 : memref<12800xi32, #tpu.memory_space<vmem>>)
      %ge3A = arith.constant 1 : i32
      %ge3A_120 = arith.cmpi sge, %scan3A_86, %ge3A : i32
      %convert_element_type3A = arith.extui %ge3A_120 : i1 to i32
      %cond3A = arith.constant 0 : i32
      %cond3A_121 = arith.cmpi ne, %convert_element_type3A, %cond3A : i32
      scf.if %cond3A_121 {
        %mul3A_215 = arith.constant 64 : i32
        %mul3A_216 = arith.muli %add3A_91, %mul3A_215 : i32
        %add3A_217 = arith.addi %mul3A_2, %mul3A_216 : i32
        %mul3A_218 = arith.constant 32 : i32
        %mul3A_219 = arith.muli %add3A_217, %mul3A_218 : i32
        %dma_wait3A_220 = arith.constant 0 : i32
        %dma_wait3A_221 = arith.constant 0 : i32
        %dma_wait3A_222 = tpu.memref_slice %arg15[%dma_wait3A_220, %dma_wait3A_221] : memref<2x2048xf32, #tpu.memory_space<vmem>> -> memref<1x2048xf32, #tpu.memory_space<vmem>>
        %dma_wait3A_223 = tpu.memref_squeeze %dma_wait3A_222 : memref<1x2048xf32, #tpu.memory_space<vmem>> -> memref<2048xf32, #tpu.memory_space<vmem>>
        %dma_wait3A_224 = tpu.memref_slice %arg8[%mul3A_219] : memref<524288xf32, #tpu.memory_space<hbm>> -> memref<2048xf32, #tpu.memory_space<hbm>>
        %dma_wait3A_225 = tpu.memref_slice %arg8[%mul3A_219] : memref<524288xf32, #tpu.memory_space<hbm>> -> memref<2048xf32, #tpu.memory_space<hbm>>
        %dma_wait3A_226 = arith.constant 0 : i32
        %dma_wait3A_227 = tpu.memref_slice %arg15[%dma_wait3A_220, %dma_wait3A_226] : memref<2x2048xf32, #tpu.memory_space<vmem>> -> memref<1x2048xf32, #tpu.memory_space<vmem>>
        %dma_wait3A_228 = tpu.memref_squeeze %dma_wait3A_227 : memref<1x2048xf32, #tpu.memory_space<vmem>> -> memref<2048xf32, #tpu.memory_space<vmem>>
        tpu.wait_dma2 semaphore(%arg20 : memref<!tpu.dma_semaphore, #tpu.memory_space<semaphore_mem>>) src(%dma_wait3A_228 : memref<2048xf32, #tpu.memory_space<vmem>>) dst(%dma_wait3A_225 : memref<2048xf32, #tpu.memory_space<hbm>>)
      } else {
      }
      %scan3A_122 = arith.constant 0 : i32
      %scan3A_123 = arith.constant 0 : i32
      %scan3A_124 = arith.constant 4 : i32
      %scan3A_125 = arith.addi %scan3A_123, %scan3A_124 : i32
      %scan3A_126 = arith.constant 1 : i32
      %scan3A_127 = scf.for %scan3A_215 = %scan3A_123 to %scan3A_125 step %scan3A_126 iter_args(%scan3A_216 = %scan3A_122) -> (i32)  : i32 {
        %mul3A_217 = arith.constant 16 : i32
        %mul3A_218 = arith.muli %scan3A_215, %mul3A_217 : i32
        %mul3A_219 = arith.constant 20 : i32
        %mul3A_220 = vector.broadcast %mul3A_219 : i32 to vector<16xi32>
        %mul3A_221 = arith.muli %iota3A, %mul3A_220 : vector<16xi32>
        %mul3A_222 = arith.constant 20 : i32
        %mul3A_223 = arith.muli %mul3A_218, %mul3A_222 : i32
        %add3A_224 = vector.broadcast %mul3A_223 : i32 to vector<16xi32>
        %add3A_225 = arith.addi %mul3A_221, %add3A_224 : vector<16xi32>
        %mul3A_226 = arith.constant 200 : i32
        %mul3A_227 = vector.broadcast %mul3A_226 : i32 to vector<16xi32>
        %mul3A_228 = arith.muli %iota3A, %mul3A_227 : vector<16xi32>
        %mul3A_229 = arith.constant 200 : i32
        %mul3A_230 = arith.muli %mul3A_218, %mul3A_229 : i32
        %add3A_231 = vector.broadcast %mul3A_230 : i32 to vector<16xi32>
        %add3A_232 = arith.addi %mul3A_228, %add3A_231 : vector<16xi32>
        %mul3A_233 = arith.constant 32 : i32
        %mul3A_234 = vector.broadcast %mul3A_233 : i32 to vector<16xi32>
        %mul3A_235 = arith.muli %iota3A, %mul3A_234 : vector<16xi32>
        %mul3A_236 = arith.constant 32 : i32
        %mul3A_237 = arith.muli %mul3A_218, %mul3A_236 : i32
        %add3A_238 = vector.broadcast %mul3A_237 : i32 to vector<16xi32>
        %add3A_239 = arith.addi %mul3A_235, %add3A_238 : vector<16xi32>
        %scan3A_240 = arith.constant 0 : i32
        %scan3A_241 = arith.constant 0 : i32
        %scan3A_242 = arith.constant 32 : i32
        %scan3A_243 = arith.addi %scan3A_241, %scan3A_242 : i32
        %scan3A_244 = arith.constant 4 : i32
        %scan3A_245 = scf.for %scan3A_248 = %scan3A_241 to %scan3A_243 step %scan3A_244 iter_args(%scan3A_249 = %scan3A_240) -> (i32)  : i32 {
          %max3A = arith.constant 0.000000e+00 : f32
          %max3A_250 = vector.broadcast %max3A : f32 to vector<16xf32>
          %max3A_251 = arith.maximumf %broadcast_in_dim3A_3, %max3A_250 : vector<16xf32>
          %add3A_252 = vector.broadcast %scan3A_248 : i32 to vector<16xi32>
          %add3A_253 = arith.addi %add3A_239, %add3A_252 : vector<16xi32>
          %scatter3A = arith.constant 0 : i32
          %scatter3A_254 = arith.constant 0 : i32
          %scatter3A_255 = tpu.memref_slice %arg15[%scatter3A, %scatter3A_254] : memref<2x2048xf32, #tpu.memory_space<vmem>> -> memref<1x2048xf32, #tpu.memory_space<vmem>>
          %scatter3A_256 = tpu.memref_squeeze %scatter3A_255 : memref<1x2048xf32, #tpu.memory_space<vmem>> -> memref<2048xf32, #tpu.memory_space<vmem>>
          tpu.vector_store_idx %scatter3A_256[%add3A_253], %max3A_251 : memref<2048xf32, #tpu.memory_space<vmem>>[vector<16xi32>], vector<16xf32>,
          %scan3A_257 = arith.constant 0 : i32
          %scan3A_258 = arith.constant 1 : i32
          %scan3A_259 = arith.addi %scan3A_248, %scan3A_258 : i32
          %max3A_260 = arith.constant 0.000000e+00 : f32
          %max3A_261 = vector.broadcast %max3A_260 : f32 to vector<16xf32>
          %max3A_262 = arith.maximumf %broadcast_in_dim3A_3, %max3A_261 : vector<16xf32>
          %add3A_263 = vector.broadcast %scan3A_259 : i32 to vector<16xi32>
          %add3A_264 = arith.addi %add3A_239, %add3A_263 : vector<16xi32>
          %scatter3A_265 = arith.constant 0 : i32
          %scatter3A_266 = arith.constant 0 : i32
          %scatter3A_267 = tpu.memref_slice %arg15[%scatter3A_265, %scatter3A_266] : memref<2x2048xf32, #tpu.memory_space<vmem>> -> memref<1x2048xf32, #tpu.memory_space<vmem>>
          %scatter3A_268 = tpu.memref_squeeze %scatter3A_267 : memref<1x2048xf32, #tpu.memory_space<vmem>> -> memref<2048xf32, #tpu.memory_space<vmem>>
          tpu.vector_store_idx %scatter3A_268[%add3A_264], %max3A_262 : memref<2048xf32, #tpu.memory_space<vmem>>[vector<16xi32>], vector<16xf32>,
          %scan3A_269 = arith.constant 0 : i32
          %scan3A_270 = arith.constant 2 : i32
          %scan3A_271 = arith.addi %scan3A_248, %scan3A_270 : i32
          %max3A_272 = arith.constant 0.000000e+00 : f32
          %max3A_273 = vector.broadcast %max3A_272 : f32 to vector<16xf32>
          %max3A_274 = arith.maximumf %broadcast_in_dim3A_3, %max3A_273 : vector<16xf32>
          %add3A_275 = vector.broadcast %scan3A_271 : i32 to vector<16xi32>
          %add3A_276 = arith.addi %add3A_239, %add3A_275 : vector<16xi32>
          %scatter3A_277 = arith.constant 0 : i32
          %scatter3A_278 = arith.constant 0 : i32
          %scatter3A_279 = tpu.memref_slice %arg15[%scatter3A_277, %scatter3A_278] : memref<2x2048xf32, #tpu.memory_space<vmem>> -> memref<1x2048xf32, #tpu.memory_space<vmem>>
          %scatter3A_280 = tpu.memref_squeeze %scatter3A_279 : memref<1x2048xf32, #tpu.memory_space<vmem>> -> memref<2048xf32, #tpu.memory_space<vmem>>
          tpu.vector_store_idx %scatter3A_280[%add3A_276], %max3A_274 : memref<2048xf32, #tpu.memory_space<vmem>>[vector<16xi32>], vector<16xf32>,
          %scan3A_281 = arith.constant 0 : i32
          %scan3A_282 = arith.constant 3 : i32
          %scan3A_283 = arith.addi %scan3A_248, %scan3A_282 : i32
          %max3A_284 = arith.constant 0.000000e+00 : f32
          %max3A_285 = vector.broadcast %max3A_284 : f32 to vector<16xf32>
          %max3A_286 = arith.maximumf %broadcast_in_dim3A_3, %max3A_285 : vector<16xf32>
          %add3A_287 = vector.broadcast %scan3A_283 : i32 to vector<16xi32>
          %add3A_288 = arith.addi %add3A_239, %add3A_287 : vector<16xi32>
          %scatter3A_289 = arith.constant 0 : i32
          %scatter3A_290 = arith.constant 0 : i32
          %scatter3A_291 = tpu.memref_slice %arg15[%scatter3A_289, %scatter3A_290] : memref<2x2048xf32, #tpu.memory_space<vmem>> -> memref<1x2048xf32, #tpu.memory_space<vmem>>
          %scatter3A_292 = tpu.memref_squeeze %scatter3A_291 : memref<1x2048xf32, #tpu.memory_space<vmem>> -> memref<2048xf32, #tpu.memory_space<vmem>>
          tpu.vector_store_idx %scatter3A_292[%add3A_288], %max3A_286 : memref<2048xf32, #tpu.memory_space<vmem>>[vector<16xi32>], vector<16xf32>,
          %scan3A_293 = arith.constant 0 : i32
          scf.yield %scan3A_293 : i32
        }
        %scan3A_246 = arith.constant 32 : i32
        %scan3A_247 = arith.constant 0 : i32
        scf.yield %scan3A_247 : i32
      }
      %scan3A_128 = arith.constant 4 : i32
      %mul3A_129 = arith.constant 64 : i32
      %mul3A_130 = arith.muli %add3A_91, %mul3A_129 : i32
      %add3A_131 = arith.addi %mul3A_2, %mul3A_130 : i32
      %mul3A_132 = arith.constant 32 : i32
      %mul3A_133 = arith.muli %add3A_131, %mul3A_132 : i32
      %dma_start3A_134 = arith.constant 0 : i32
      %dma_start3A_135 = arith.constant 0 : i32
      %dma_start3A_136 = tpu.memref_slice %arg15[%dma_start3A_134, %dma_start3A_135] : memref<2x2048xf32, #tpu.memory_space<vmem>> -> memref<1x2048xf32, #tpu.memory_space<vmem>>
      %dma_start3A_137 = tpu.memref_squeeze %dma_start3A_136 : memref<1x2048xf32, #tpu.memory_space<vmem>> -> memref<2048xf32, #tpu.memory_space<vmem>>
      %dma_start3A_138 = tpu.memref_slice %arg8[%mul3A_133] : memref<524288xf32, #tpu.memory_space<hbm>> -> memref<2048xf32, #tpu.memory_space<hbm>>
      %dma_start3A_139 = tpu.memref_slice %arg8[%mul3A_133] : memref<524288xf32, #tpu.memory_space<hbm>> -> memref<2048xf32, #tpu.memory_space<hbm>>
      %dma_start3A_140 = arith.constant 0 : i32
      %dma_start3A_141 = tpu.memref_slice %arg15[%dma_start3A_134, %dma_start3A_140] : memref<2x2048xf32, #tpu.memory_space<vmem>> -> memref<1x2048xf32, #tpu.memory_space<vmem>>
      %dma_start3A_142 = tpu.memref_squeeze %dma_start3A_141 : memref<1x2048xf32, #tpu.memory_space<vmem>> -> memref<2048xf32, #tpu.memory_space<vmem>>
      tpu.enqueue_dma source(%dma_start3A_142 : memref<2048xf32, #tpu.memory_space<vmem>>) target(%dma_start3A_139 : memref<2048xf32, #tpu.memory_space<hbm>>) target_semaphore(%arg20 : memref<!tpu.dma_semaphore, #tpu.memory_space<semaphore_mem>>)
      %add3A_143 = arith.constant 2 : i32
      %add3A_144 = arith.addi %add3A_91, %add3A_143 : i32
      %lt3A = arith.constant 8 : i32
      %lt3A_145 = arith.cmpi slt, %add3A_144, %lt3A : i32
      %convert_element_type3A_146 = arith.extui %lt3A_145 : i1 to i32
      %cond3A_147 = arith.constant 0 : i32
      %cond3A_148 = arith.cmpi ne, %convert_element_type3A_146, %cond3A_147 : i32
      scf.if %cond3A_148 {
        %add3A_215 = arith.constant 2 : i32
        %add3A_216 = arith.addi %add3A_91, %add3A_215 : i32
        %mul3A_217 = arith.constant 64 : i32
        %mul3A_218 = arith.muli %add3A_216, %mul3A_217 : i32
        %add3A_219 = arith.addi %mul3A_2, %mul3A_218 : i32
        %mul3A_220 = arith.constant 20 : i32
        %mul3A_221 = arith.muli %add3A_219, %mul3A_220 : i32
        %dma_start3A_222 = arith.constant 0 : i32
        %dma_start3A_223 = arith.constant 0 : i32
        %dma_start3A_224 = tpu.memref_slice %arg11[%dma_start3A_222, %dma_start3A_223] : memref<2x1280xi32, #tpu.memory_space<vmem>> -> memref<1x1280xi32, #tpu.memory_space<vmem>>
        %dma_start3A_225 = tpu.memref_squeeze %dma_start3A_224 : memref<1x1280xi32, #tpu.memory_space<vmem>> -> memref<1280xi32, #tpu.memory_space<vmem>>
        %dma_start3A_226 = tpu.memref_slice %arg2[%mul3A_221] : memref<327680xi32, #tpu.memory_space<hbm>> -> memref<1280xi32, #tpu.memory_space<hbm>>
        %dma_start3A_227 = arith.constant 0 : i32
        %dma_start3A_228 = tpu.memref_slice %arg11[%dma_start3A_222, %dma_start3A_227] : memref<2x1280xi32, #tpu.memory_space<vmem>> -> memref<1x1280xi32, #tpu.memory_space<vmem>>
        %dma_start3A_229 = tpu.memref_squeeze %dma_start3A_228 : memref<1x1280xi32, #tpu.memory_space<vmem>> -> memref<1280xi32, #tpu.memory_space<vmem>>
        %dma_start3A_230 = tpu.memref_slice %arg2[%mul3A_221] : memref<327680xi32, #tpu.memory_space<hbm>> -> memref<1280xi32, #tpu.memory_space<hbm>>
        tpu.enqueue_dma source(%dma_start3A_230 : memref<1280xi32, #tpu.memory_space<hbm>>) target(%dma_start3A_229 : memref<1280xi32, #tpu.memory_space<vmem>>) target_semaphore(%arg16 : memref<!tpu.dma_semaphore, #tpu.memory_space<semaphore_mem>>)
        %add3A_231 = arith.constant 2 : i32
        %add3A_232 = arith.addi %add3A_91, %add3A_231 : i32
        %mul3A_233 = arith.constant 64 : i32
        %mul3A_234 = arith.muli %add3A_232, %mul3A_233 : i32
        %add3A_235 = arith.addi %mul3A_2, %mul3A_234 : i32
        %mul3A_236 = arith.constant 200 : i32
        %mul3A_237 = arith.muli %add3A_235, %mul3A_236 : i32
        %dma_start3A_238 = arith.constant 0 : i32
        %dma_start3A_239 = arith.constant 0 : i32
        %dma_start3A_240 = tpu.memref_slice %arg12[%dma_start3A_238, %dma_start3A_239] : memref<2x12800xi32, #tpu.memory_space<vmem>> -> memref<1x12800xi32, #tpu.memory_space<vmem>>
        %dma_start3A_241 = tpu.memref_squeeze %dma_start3A_240 : memref<1x12800xi32, #tpu.memory_space<vmem>> -> memref<12800xi32, #tpu.memory_space<vmem>>
        %dma_start3A_242 = tpu.memref_slice %arg3[%mul3A_237] : memref<3276800xi32, #tpu.memory_space<hbm>> -> memref<12800xi32, #tpu.memory_space<hbm>>
        %dma_start3A_243 = arith.constant 0 : i32
        %dma_start3A_244 = tpu.memref_slice %arg12[%dma_start3A_238, %dma_start3A_243] : memref<2x12800xi32, #tpu.memory_space<vmem>> -> memref<1x12800xi32, #tpu.memory_space<vmem>>
        %dma_start3A_245 = tpu.memref_squeeze %dma_start3A_244 : memref<1x12800xi32, #tpu.memory_space<vmem>> -> memref<12800xi32, #tpu.memory_space<vmem>>
        %dma_start3A_246 = tpu.memref_slice %arg3[%mul3A_237] : memref<3276800xi32, #tpu.memory_space<hbm>> -> memref<12800xi32, #tpu.memory_space<hbm>>
        tpu.enqueue_dma source(%dma_start3A_246 : memref<12800xi32, #tpu.memory_space<hbm>>) target(%dma_start3A_245 : memref<12800xi32, #tpu.memory_space<vmem>>) target_semaphore(%arg18 : memref<!tpu.dma_semaphore, #tpu.memory_space<semaphore_mem>>)
      } else {
      }
      %mul3A_149 = arith.constant 2 : i32
      %mul3A_150 = arith.muli %mul3A_149, %scan3A_86 : i32
      %add3A_151 = arith.constant 1 : i32
      %add3A_152 = arith.addi %mul3A_150, %add3A_151 : i32
      %mul3A_153 = arith.constant 64 : i32
      %mul3A_154 = arith.muli %add3A_152, %mul3A_153 : i32
      %add3A_155 = arith.addi %mul3A_2, %mul3A_154 : i32
      %mul3A_156 = arith.constant 20 : i32
      %mul3A_157 = arith.muli %add3A_155, %mul3A_156 : i32
      %dma_wait3A_158 = arith.constant 1 : i32
      %dma_wait3A_159 = arith.constant 0 : i32
      %dma_wait3A_160 = tpu.memref_slice %arg11[%dma_wait3A_158, %dma_wait3A_159] : memref<2x1280xi32, #tpu.memory_space<vmem>> -> memref<1x1280xi32, #tpu.memory_space<vmem>>
      %dma_wait3A_161 = tpu.memref_squeeze %dma_wait3A_160 : memref<1x1280xi32, #tpu.memory_space<vmem>> -> memref<1280xi32, #tpu.memory_space<vmem>>
      %dma_wait3A_162 = tpu.memref_slice %arg2[%mul3A_157] : memref<327680xi32, #tpu.memory_space<hbm>> -> memref<1280xi32, #tpu.memory_space<hbm>>
      %dma_wait3A_163 = arith.constant 0 : i32
      %dma_wait3A_164 = tpu.memref_slice %arg11[%dma_wait3A_158, %dma_wait3A_163] : memref<2x1280xi32, #tpu.memory_space<vmem>> -> memref<1x1280xi32, #tpu.memory_space<vmem>>
      %dma_wait3A_165 = tpu.memref_squeeze %dma_wait3A_164 : memref<1x1280xi32, #tpu.memory_space<vmem>> -> memref<1280xi32, #tpu.memory_space<vmem>>
      %dma_wait3A_166 = tpu.memref_slice %arg2[%mul3A_157] : memref<327680xi32, #tpu.memory_space<hbm>> -> memref<1280xi32, #tpu.memory_space<hbm>>
      tpu.wait_dma2 semaphore(%arg17 : memref<!tpu.dma_semaphore, #tpu.memory_space<semaphore_mem>>) src(%dma_wait3A_166 : memref<1280xi32, #tpu.memory_space<hbm>>) dst(%dma_wait3A_165 : memref<1280xi32, #tpu.memory_space<vmem>>)
      %mul3A_167 = arith.constant 64 : i32
      %mul3A_168 = arith.muli %add3A_152, %mul3A_167 : i32
      %add3A_169 = arith.addi %mul3A_2, %mul3A_168 : i32
      %mul3A_170 = arith.constant 200 : i32
      %mul3A_171 = arith.muli %add3A_169, %mul3A_170 : i32
      %dma_wait3A_172 = arith.constant 1 : i32
      %dma_wait3A_173 = arith.constant 0 : i32
      %dma_wait3A_174 = tpu.memref_slice %arg12[%dma_wait3A_172, %dma_wait3A_173] : memref<2x12800xi32, #tpu.memory_space<vmem>> -> memref<1x12800xi32, #tpu.memory_space<vmem>>
      %dma_wait3A_175 = tpu.memref_squeeze %dma_wait3A_174 : memref<1x12800xi32, #tpu.memory_space<vmem>> -> memref<12800xi32, #tpu.memory_space<vmem>>
      %dma_wait3A_176 = tpu.memref_slice %arg3[%mul3A_171] : memref<3276800xi32, #tpu.memory_space<hbm>> -> memref<12800xi32, #tpu.memory_space<hbm>>
      %dma_wait3A_177 = arith.constant 0 : i32
      %dma_wait3A_178 = tpu.memref_slice %arg12[%dma_wait3A_172, %dma_wait3A_177] : memref<2x12800xi32, #tpu.memory_space<vmem>> -> memref<1x12800xi32, #tpu.memory_space<vmem>>
      %dma_wait3A_179 = tpu.memref_squeeze %dma_wait3A_178 : memref<1x12800xi32, #tpu.memory_space<vmem>> -> memref<12800xi32, #tpu.memory_space<vmem>>
      %dma_wait3A_180 = tpu.memref_slice %arg3[%mul3A_171] : memref<3276800xi32, #tpu.memory_space<hbm>> -> memref<12800xi32, #tpu.memory_space<hbm>>
      tpu.wait_dma2 semaphore(%arg19 : memref<!tpu.dma_semaphore, #tpu.memory_space<semaphore_mem>>) src(%dma_wait3A_180 : memref<12800xi32, #tpu.memory_space<hbm>>) dst(%dma_wait3A_179 : memref<12800xi32, #tpu.memory_space<vmem>>)
      %ge3A_181 = arith.constant 1 : i32
      %ge3A_182 = arith.cmpi sge, %scan3A_86, %ge3A_181 : i32
      %convert_element_type3A_183 = arith.extui %ge3A_182 : i1 to i32
      %cond3A_184 = arith.constant 0 : i32
      %cond3A_185 = arith.cmpi ne, %convert_element_type3A_183, %cond3A_184 : i32
      scf.if %cond3A_185 {
        %mul3A_215 = arith.constant 64 : i32
        %mul3A_216 = arith.muli %add3A_152, %mul3A_215 : i32
        %add3A_217 = arith.addi %mul3A_2, %mul3A_216 : i32
        %mul3A_218 = arith.constant 32 : i32
        %mul3A_219 = arith.muli %add3A_217, %mul3A_218 : i32
        %dma_wait3A_220 = arith.constant 1 : i32
        %dma_wait3A_221 = arith.constant 0 : i32
        %dma_wait3A_222 = tpu.memref_slice %arg15[%dma_wait3A_220, %dma_wait3A_221] : memref<2x2048xf32, #tpu.memory_space<vmem>> -> memref<1x2048xf32, #tpu.memory_space<vmem>>
        %dma_wait3A_223 = tpu.memref_squeeze %dma_wait3A_222 : memref<1x2048xf32, #tpu.memory_space<vmem>> -> memref<2048xf32, #tpu.memory_space<vmem>>
        %dma_wait3A_224 = tpu.memref_slice %arg8[%mul3A_219] : memref<524288xf32, #tpu.memory_space<hbm>> -> memref<2048xf32, #tpu.memory_space<hbm>>
        %dma_wait3A_225 = tpu.memref_slice %arg8[%mul3A_219] : memref<524288xf32, #tpu.memory_space<hbm>> -> memref<2048xf32, #tpu.memory_space<hbm>>
        %dma_wait3A_226 = arith.constant 0 : i32
        %dma_wait3A_227 = tpu.memref_slice %arg15[%dma_wait3A_220, %dma_wait3A_226] : memref<2x2048xf32, #tpu.memory_space<vmem>> -> memref<1x2048xf32, #tpu.memory_space<vmem>>
        %dma_wait3A_228 = tpu.memref_squeeze %dma_wait3A_227 : memref<1x2048xf32, #tpu.memory_space<vmem>> -> memref<2048xf32, #tpu.memory_space<vmem>>
        tpu.wait_dma2 semaphore(%arg21 : memref<!tpu.dma_semaphore, #tpu.memory_space<semaphore_mem>>) src(%dma_wait3A_228 : memref<2048xf32, #tpu.memory_space<vmem>>) dst(%dma_wait3A_225 : memref<2048xf32, #tpu.memory_space<hbm>>)
      } else {
      }
      %scan3A_186 = arith.constant 0 : i32
      %scan3A_187 = arith.constant 0 : i32
      %scan3A_188 = arith.constant 4 : i32
      %scan3A_189 = arith.addi %scan3A_187, %scan3A_188 : i32
      %scan3A_190 = arith.constant 1 : i32
      %scan3A_191 = scf.for %scan3A_215 = %scan3A_187 to %scan3A_189 step %scan3A_190 iter_args(%scan3A_216 = %scan3A_186) -> (i32)  : i32 {
        %mul3A_217 = arith.constant 16 : i32
        %mul3A_218 = arith.muli %scan3A_215, %mul3A_217 : i32
        %mul3A_219 = arith.constant 20 : i32
        %mul3A_220 = vector.broadcast %mul3A_219 : i32 to vector<16xi32>
        %mul3A_221 = arith.muli %iota3A, %mul3A_220 : vector<16xi32>
        %mul3A_222 = arith.constant 20 : i32
        %mul3A_223 = arith.muli %mul3A_218, %mul3A_222 : i32
        %add3A_224 = vector.broadcast %mul3A_223 : i32 to vector<16xi32>
        %add3A_225 = arith.addi %mul3A_221, %add3A_224 : vector<16xi32>
        %mul3A_226 = arith.constant 200 : i32
        %mul3A_227 = vector.broadcast %mul3A_226 : i32 to vector<16xi32>
        %mul3A_228 = arith.muli %iota3A, %mul3A_227 : vector<16xi32>
        %mul3A_229 = arith.constant 200 : i32
        %mul3A_230 = arith.muli %mul3A_218, %mul3A_229 : i32
        %add3A_231 = vector.broadcast %mul3A_230 : i32 to vector<16xi32>
        %add3A_232 = arith.addi %mul3A_228, %add3A_231 : vector<16xi32>
        %mul3A_233 = arith.constant 32 : i32
        %mul3A_234 = vector.broadcast %mul3A_233 : i32 to vector<16xi32>
        %mul3A_235 = arith.muli %iota3A, %mul3A_234 : vector<16xi32>
        %mul3A_236 = arith.constant 32 : i32
        %mul3A_237 = arith.muli %mul3A_218, %mul3A_236 : i32
        %add3A_238 = vector.broadcast %mul3A_237 : i32 to vector<16xi32>
        %add3A_239 = arith.addi %mul3A_235, %add3A_238 : vector<16xi32>
        %scan3A_240 = arith.constant 0 : i32
        %scan3A_241 = arith.constant 0 : i32
        %scan3A_242 = arith.constant 32 : i32
        %scan3A_243 = arith.addi %scan3A_241, %scan3A_242 : i32
        %scan3A_244 = arith.constant 4 : i32
        %scan3A_245 = scf.for %scan3A_248 = %scan3A_241 to %scan3A_243 step %scan3A_244 iter_args(%scan3A_249 = %scan3A_240) -> (i32)  : i32 {
          %max3A = arith.constant 0.000000e+00 : f32
          %max3A_250 = vector.broadcast %max3A : f32 to vector<16xf32>
          %max3A_251 = arith.maximumf %broadcast_in_dim3A_3, %max3A_250 : vector<16xf32>
          %add3A_252 = vector.broadcast %scan3A_248 : i32 to vector<16xi32>
          %add3A_253 = arith.addi %add3A_239, %add3A_252 : vector<16xi32>
          %scatter3A = arith.constant 1 : i32
          %scatter3A_254 = arith.constant 0 : i32
          %scatter3A_255 = tpu.memref_slice %arg15[%scatter3A, %scatter3A_254] : memref<2x2048xf32, #tpu.memory_space<vmem>> -> memref<1x2048xf32, #tpu.memory_space<vmem>>
          %scatter3A_256 = tpu.memref_squeeze %scatter3A_255 : memref<1x2048xf32, #tpu.memory_space<vmem>> -> memref<2048xf32, #tpu.memory_space<vmem>>
          tpu.vector_store_idx %scatter3A_256[%add3A_253], %max3A_251 : memref<2048xf32, #tpu.memory_space<vmem>>[vector<16xi32>], vector<16xf32>,
          %scan3A_257 = arith.constant 0 : i32
          %scan3A_258 = arith.constant 1 : i32
          %scan3A_259 = arith.addi %scan3A_248, %scan3A_258 : i32
          %max3A_260 = arith.constant 0.000000e+00 : f32
          %max3A_261 = vector.broadcast %max3A_260 : f32 to vector<16xf32>
          %max3A_262 = arith.maximumf %broadcast_in_dim3A_3, %max3A_261 : vector<16xf32>
          %add3A_263 = vector.broadcast %scan3A_259 : i32 to vector<16xi32>
          %add3A_264 = arith.addi %add3A_239, %add3A_263 : vector<16xi32>
          %scatter3A_265 = arith.constant 1 : i32
          %scatter3A_266 = arith.constant 0 : i32
          %scatter3A_267 = tpu.memref_slice %arg15[%scatter3A_265, %scatter3A_266] : memref<2x2048xf32, #tpu.memory_space<vmem>> -> memref<1x2048xf32, #tpu.memory_space<vmem>>
          %scatter3A_268 = tpu.memref_squeeze %scatter3A_267 : memref<1x2048xf32, #tpu.memory_space<vmem>> -> memref<2048xf32, #tpu.memory_space<vmem>>
          tpu.vector_store_idx %scatter3A_268[%add3A_264], %max3A_262 : memref<2048xf32, #tpu.memory_space<vmem>>[vector<16xi32>], vector<16xf32>,
          %scan3A_269 = arith.constant 0 : i32
          %scan3A_270 = arith.constant 2 : i32
          %scan3A_271 = arith.addi %scan3A_248, %scan3A_270 : i32
          %max3A_272 = arith.constant 0.000000e+00 : f32
          %max3A_273 = vector.broadcast %max3A_272 : f32 to vector<16xf32>
          %max3A_274 = arith.maximumf %broadcast_in_dim3A_3, %max3A_273 : vector<16xf32>
          %add3A_275 = vector.broadcast %scan3A_271 : i32 to vector<16xi32>
          %add3A_276 = arith.addi %add3A_239, %add3A_275 : vector<16xi32>
          %scatter3A_277 = arith.constant 1 : i32
          %scatter3A_278 = arith.constant 0 : i32
          %scatter3A_279 = tpu.memref_slice %arg15[%scatter3A_277, %scatter3A_278] : memref<2x2048xf32, #tpu.memory_space<vmem>> -> memref<1x2048xf32, #tpu.memory_space<vmem>>
          %scatter3A_280 = tpu.memref_squeeze %scatter3A_279 : memref<1x2048xf32, #tpu.memory_space<vmem>> -> memref<2048xf32, #tpu.memory_space<vmem>>
          tpu.vector_store_idx %scatter3A_280[%add3A_276], %max3A_274 : memref<2048xf32, #tpu.memory_space<vmem>>[vector<16xi32>], vector<16xf32>,
          %scan3A_281 = arith.constant 0 : i32
          %scan3A_282 = arith.constant 3 : i32
          %scan3A_283 = arith.addi %scan3A_248, %scan3A_282 : i32
          %max3A_284 = arith.constant 0.000000e+00 : f32
          %max3A_285 = vector.broadcast %max3A_284 : f32 to vector<16xf32>
          %max3A_286 = arith.maximumf %broadcast_in_dim3A_3, %max3A_285 : vector<16xf32>
          %add3A_287 = vector.broadcast %scan3A_283 : i32 to vector<16xi32>
          %add3A_288 = arith.addi %add3A_239, %add3A_287 : vector<16xi32>
          %scatter3A_289 = arith.constant 1 : i32
          %scatter3A_290 = arith.constant 0 : i32
          %scatter3A_291 = tpu.memref_slice %arg15[%scatter3A_289, %scatter3A_290] : memref<2x2048xf32, #tpu.memory_space<vmem>> -> memref<1x2048xf32, #tpu.memory_space<vmem>>
          %scatter3A_292 = tpu.memref_squeeze %scatter3A_291 : memref<1x2048xf32, #tpu.memory_space<vmem>> -> memref<2048xf32, #tpu.memory_space<vmem>>
          tpu.vector_store_idx %scatter3A_292[%add3A_288], %max3A_286 : memref<2048xf32, #tpu.memory_space<vmem>>[vector<16xi32>], vector<16xf32>,
          %scan3A_293 = arith.constant 0 : i32
          scf.yield %scan3A_293 : i32
        }
        %scan3A_246 = arith.constant 32 : i32
        %scan3A_247 = arith.constant 0 : i32
        scf.yield %scan3A_247 : i32
      }
      %scan3A_192 = arith.constant 4 : i32
      %mul3A_193 = arith.constant 64 : i32
      %mul3A_194 = arith.muli %add3A_152, %mul3A_193 : i32
      %add3A_195 = arith.addi %mul3A_2, %mul3A_194 : i32
      %mul3A_196 = arith.constant 32 : i32
      %mul3A_197 = arith.muli %add3A_195, %mul3A_196 : i32
      %dma_start3A_198 = arith.constant 1 : i32
      %dma_start3A_199 = arith.constant 0 : i32
      %dma_start3A_200 = tpu.memref_slice %arg15[%dma_start3A_198, %dma_start3A_199] : memref<2x2048xf32, #tpu.memory_space<vmem>> -> memref<1x2048xf32, #tpu.memory_space<vmem>>
      %dma_start3A_201 = tpu.memref_squeeze %dma_start3A_200 : memref<1x2048xf32, #tpu.memory_space<vmem>> -> memref<2048xf32, #tpu.memory_space<vmem>>
      %dma_start3A_202 = tpu.memref_slice %arg8[%mul3A_197] : memref<524288xf32, #tpu.memory_space<hbm>> -> memref<2048xf32, #tpu.memory_space<hbm>>
      %dma_start3A_203 = tpu.memref_slice %arg8[%mul3A_197] : memref<524288xf32, #tpu.memory_space<hbm>> -> memref<2048xf32, #tpu.memory_space<hbm>>
      %dma_start3A_204 = arith.constant 0 : i32
      %dma_start3A_205 = tpu.memref_slice %arg15[%dma_start3A_198, %dma_start3A_204] : memref<2x2048xf32, #tpu.memory_space<vmem>> -> memref<1x2048xf32, #tpu.memory_space<vmem>>
      %dma_start3A_206 = tpu.memref_squeeze %dma_start3A_205 : memref<1x2048xf32, #tpu.memory_space<vmem>> -> memref<2048xf32, #tpu.memory_space<vmem>>
      tpu.enqueue_dma source(%dma_start3A_206 : memref<2048xf32, #tpu.memory_space<vmem>>) target(%dma_start3A_203 : memref<2048xf32, #tpu.memory_space<hbm>>) target_semaphore(%arg21 : memref<!tpu.dma_semaphore, #tpu.memory_space<semaphore_mem>>)
      %add3A_207 = arith.constant 2 : i32
      %add3A_208 = arith.addi %add3A_152, %add3A_207 : i32
      %lt3A_209 = arith.constant 8 : i32
      %lt3A_210 = arith.cmpi slt, %add3A_208, %lt3A_209 : i32
      %convert_element_type3A_211 = arith.extui %lt3A_210 : i1 to i32
      %cond3A_212 = arith.constant 0 : i32
      %cond3A_213 = arith.cmpi ne, %convert_element_type3A_211, %cond3A_212 : i32
      scf.if %cond3A_213 {
        %add3A_215 = arith.constant 2 : i32
        %add3A_216 = arith.addi %add3A_152, %add3A_215 : i32
        %mul3A_217 = arith.constant 64 : i32
        %mul3A_218 = arith.muli %add3A_216, %mul3A_217 : i32
        %add3A_219 = arith.addi %mul3A_2, %mul3A_218 : i32
        %mul3A_220 = arith.constant 20 : i32
        %mul3A_221 = arith.muli %add3A_219, %mul3A_220 : i32
        %dma_start3A_222 = arith.constant 1 : i32
        %dma_start3A_223 = arith.constant 0 : i32
        %dma_start3A_224 = tpu.memref_slice %arg11[%dma_start3A_222, %dma_start3A_223] : memref<2x1280xi32, #tpu.memory_space<vmem>> -> memref<1x1280xi32, #tpu.memory_space<vmem>>
        %dma_start3A_225 = tpu.memref_squeeze %dma_start3A_224 : memref<1x1280xi32, #tpu.memory_space<vmem>> -> memref<1280xi32, #tpu.memory_space<vmem>>
        %dma_start3A_226 = tpu.memref_slice %arg2[%mul3A_221] : memref<327680xi32, #tpu.memory_space<hbm>> -> memref<1280xi32, #tpu.memory_space<hbm>>
        %dma_start3A_227 = arith.constant 0 : i32
        %dma_start3A_228 = tpu.memref_slice %arg11[%dma_start3A_222, %dma_start3A_227] : memref<2x1280xi32, #tpu.memory_space<vmem>> -> memref<1x1280xi32, #tpu.memory_space<vmem>>
        %dma_start3A_229 = tpu.memref_squeeze %dma_start3A_228 : memref<1x1280xi32, #tpu.memory_space<vmem>> -> memref<1280xi32, #tpu.memory_space<vmem>>
        %dma_start3A_230 = tpu.memref_slice %arg2[%mul3A_221] : memref<327680xi32, #tpu.memory_space<hbm>> -> memref<1280xi32, #tpu.memory_space<hbm>>
        tpu.enqueue_dma source(%dma_start3A_230 : memref<1280xi32, #tpu.memory_space<hbm>>) target(%dma_start3A_229 : memref<1280xi32, #tpu.memory_space<vmem>>) target_semaphore(%arg17 : memref<!tpu.dma_semaphore, #tpu.memory_space<semaphore_mem>>)
        %add3A_231 = arith.constant 2 : i32
        %add3A_232 = arith.addi %add3A_152, %add3A_231 : i32
        %mul3A_233 = arith.constant 64 : i32
        %mul3A_234 = arith.muli %add3A_232, %mul3A_233 : i32
        %add3A_235 = arith.addi %mul3A_2, %mul3A_234 : i32
        %mul3A_236 = arith.constant 200 : i32
        %mul3A_237 = arith.muli %add3A_235, %mul3A_236 : i32
        %dma_start3A_238 = arith.constant 1 : i32
        %dma_start3A_239 = arith.constant 0 : i32
        %dma_start3A_240 = tpu.memref_slice %arg12[%dma_start3A_238, %dma_start3A_239] : memref<2x12800xi32, #tpu.memory_space<vmem>> -> memref<1x12800xi32, #tpu.memory_space<vmem>>
        %dma_start3A_241 = tpu.memref_squeeze %dma_start3A_240 : memref<1x12800xi32, #tpu.memory_space<vmem>> -> memref<12800xi32, #tpu.memory_space<vmem>>
        %dma_start3A_242 = tpu.memref_slice %arg3[%mul3A_237] : memref<3276800xi32, #tpu.memory_space<hbm>> -> memref<12800xi32, #tpu.memory_space<hbm>>
        %dma_start3A_243 = arith.constant 0 : i32
        %dma_start3A_244 = tpu.memref_slice %arg12[%dma_start3A_238, %dma_start3A_243] : memref<2x12800xi32, #tpu.memory_space<vmem>> -> memref<1x12800xi32, #tpu.memory_space<vmem>>
        %dma_start3A_245 = tpu.memref_squeeze %dma_start3A_244 : memref<1x12800xi32, #tpu.memory_space<vmem>> -> memref<12800xi32, #tpu.memory_space<vmem>>
        %dma_start3A_246 = tpu.memref_slice %arg3[%mul3A_237] : memref<3276800xi32, #tpu.memory_space<hbm>> -> memref<12800xi32, #tpu.memory_space<hbm>>
        tpu.enqueue_dma source(%dma_start3A_246 : memref<12800xi32, #tpu.memory_space<hbm>>) target(%dma_start3A_245 : memref<12800xi32, #tpu.memory_space<vmem>>) target_semaphore(%arg19 : memref<!tpu.dma_semaphore, #tpu.memory_space<semaphore_mem>>)
      } else {
      }
      %scan3A_214 = arith.constant 0 : i32
      scf.yield %scan3A_214 : i32
    }
    %scan3A_60 = arith.constant 4 : i32
    %add3A_61 = arith.constant 0 : i32
    %add3A_62 = arith.addi %mul3A_2, %add3A_61 : i32
    %mul3A_63 = arith.constant 32 : i32
    %mul3A_64 = arith.muli %add3A_62, %mul3A_63 : i32
    %dma_wait3A = arith.constant 0 : i32
    %dma_wait3A_65 = arith.constant 0 : i32
    %dma_wait3A_66 = tpu.memref_slice %arg15[%dma_wait3A, %dma_wait3A_65] : memref<2x2048xf32, #tpu.memory_space<vmem>> -> memref<1x2048xf32, #tpu.memory_space<vmem>>
    %dma_wait3A_67 = tpu.memref_squeeze %dma_wait3A_66 : memref<1x2048xf32, #tpu.memory_space<vmem>> -> memref<2048xf32, #tpu.memory_space<vmem>>
    %dma_wait3A_68 = tpu.memref_slice %arg8[%mul3A_64] : memref<524288xf32, #tpu.memory_space<hbm>> -> memref<2048xf32, #tpu.memory_space<hbm>>
    %dma_wait3A_69 = tpu.memref_slice %arg8[%mul3A_64] : memref<524288xf32, #tpu.memory_space<hbm>> -> memref<2048xf32, #tpu.memory_space<hbm>>
    %dma_wait3A_70 = arith.constant 0 : i32
    %dma_wait3A_71 = tpu.memref_slice %arg15[%dma_wait3A, %dma_wait3A_70] : memref<2x2048xf32, #tpu.memory_space<vmem>> -> memref<1x2048xf32, #tpu.memory_space<vmem>>
    %dma_wait3A_72 = tpu.memref_squeeze %dma_wait3A_71 : memref<1x2048xf32, #tpu.memory_space<vmem>> -> memref<2048xf32, #tpu.memory_space<vmem>>
    tpu.wait_dma2 semaphore(%arg20 : memref<!tpu.dma_semaphore, #tpu.memory_space<semaphore_mem>>) src(%dma_wait3A_72 : memref<2048xf32, #tpu.memory_space<vmem>>) dst(%dma_wait3A_69 : memref<2048xf32, #tpu.memory_space<hbm>>)
    %add3A_73 = arith.constant 64 : i32
    %add3A_74 = arith.addi %mul3A_2, %add3A_73 : i32
    %mul3A_75 = arith.constant 32 : i32
    %mul3A_76 = arith.muli %add3A_74, %mul3A_75 : i32
    %dma_wait3A_77 = arith.constant 1 : i32
    %dma_wait3A_78 = arith.constant 0 : i32
    %dma_wait3A_79 = tpu.memref_slice %arg15[%dma_wait3A_77, %dma_wait3A_78] : memref<2x2048xf32, #tpu.memory_space<vmem>> -> memref<1x2048xf32, #tpu.memory_space<vmem>>
    %dma_wait3A_80 = tpu.memref_squeeze %dma_wait3A_79 : memref<1x2048xf32, #tpu.memory_space<vmem>> -> memref<2048xf32, #tpu.memory_space<vmem>>
    %dma_wait3A_81 = tpu.memref_slice %arg8[%mul3A_76] : memref<524288xf32, #tpu.memory_space<hbm>> -> memref<2048xf32, #tpu.memory_space<hbm>>
    %dma_wait3A_82 = tpu.memref_slice %arg8[%mul3A_76] : memref<524288xf32, #tpu.memory_space<hbm>> -> memref<2048xf32, #tpu.memory_space<hbm>>
    %dma_wait3A_83 = arith.constant 0 : i32
    %dma_wait3A_84 = tpu.memref_slice %arg15[%dma_wait3A_77, %dma_wait3A_83] : memref<2x2048xf32, #tpu.memory_space<vmem>> -> memref<1x2048xf32, #tpu.memory_space<vmem>>
    %dma_wait3A_85 = tpu.memref_squeeze %dma_wait3A_84 : memref<1x2048xf32, #tpu.memory_space<vmem>> -> memref<2048xf32, #tpu.memory_space<vmem>>
    tpu.wait_dma2 semaphore(%arg21 : memref<!tpu.dma_semaphore, #tpu.memory_space<semaphore_mem>>) src(%dma_wait3A_85 : memref<2048xf32, #tpu.memory_space<vmem>>) dst(%dma_wait3A_82 : memref<2048xf32, #tpu.memory_space<hbm>>)
    return
  }
}

</mosaic_0001>

<sc_bundles>
// kernel: kernel.3.cloned.1.call-start
scs
__scs_entry_jumppad:
0x0: {  	(pc) =	sbr.rel $0x88, $3  }
0x1: {  	(tag) =	ssettag $0x0;
	lr =	simm.s32 $0x1  }
0x2: {  	[smem:$0x3F9B] =	sst lr;
	_ =	strace $0xD0000000  }
0x3: {  	_ = 	snop  }
0x4: {  	_ = 	snop  }
0x5: {  	_ = 	snop  }
0x6: {  	_ = 	snop  }
0x7: {  	_ = 	snop  }
__scs_overlays_trampoline_lowered:
0x8: {  	[smem:$0x3FAA] =	sst s0  }
0x9: {  	[smem:$0x3FAB] =	sst s1  }
0xa: {  	[smem:$0x3FAC] =	sst s2  }
0xb: {  	[smem:$0x3FAD] =	sst s3  }
0xc: {  	[smem:$0x3FAE] =	sst s4  }
0xd: {  	[smem:$0x3FAF] =	sst s5  }
0xe: {  	[smem:$0x3FB0] =	sst s6  }
0xf: {  	[smem:$0x3FB1] =	sst s7  }
0x10: {  	[smem:$0x3FB2] =	sst s8  }
0x11: {  	[smem:$0x3FB3] =	sst s9;
	s0 =	simm.s32 @!p0 $0x0  }
0x12: {  	s1 =	sld [smem:$0x3F99];
	s0 =	simm.s32 @p0 $0x1  }
0x13: {  	[smem:$0x3FB4] =	sst s0;
	s0 =	simm.s32 @!p1 $0x0  }
0x14: {  	s2 =	sld [smem:$0x3F98];
	s0 =	simm.s32 @p1 $0x1  }
0x15: {  	[smem:$0x3FB5] =	sst s0;
	s0 =	simm.s32 @!p2 $0x0  }
0x16: {  	s3 =	sld [smem:$0x3FDB];
	s0 =	simm.s32 @p2 $0x1  }
0x17: {  	s4 =	simm.s32 $0x1BF5;
	[smem:$0x3FB7] =	sst s0  }
0x18: {  	s0 =	sld [smem:$0x3F9A];
	_ =	swait.ge [sflag:s4], $0x0  }
0x19: {  	s7 =	sld [smem:$0x3F9B]  }
0x1a: {  	s8 =	sadd.s32 $0xFFFFE003, lr  }
0x1b: {  	s9 =	sadd.s32 $0xFFFFFEF7, lr;
	s5 =	simm.s32 $0xFFFFFFFF;
	p2 =	slt.u32 s8, $0xFFFFF086  }
0x1c: {  	p1 =	slt.u32 s9, $0xF7A;
	s5 =	simm.s32 @!p2 $0x0  }
0x1d: {  	s5 =	simm.s32 @p1 $0x1;
	p0 =	seq.s32 s7, s2  }
0x1e: {  	s7 =	smul.u32 @!p0 $0xF7A, s2;
	p2 =	seq.s32 @!p0 s5, $0x0  }
0x1f: {  	s9 =	smul.u32 $0xF7A, s1;
	s8 =	simm.s32 @!p0 $0x1BF5;
	p2 =	por !p2, p0  }
0x20: {  	[sflag:s8] =	ssyncset.s32 @!p0 $0xFFFFF086;
	s6 =	sadd.s32 @!p0 s3, s7;
	s7 =	simm.s32 @!p0 $0x108  }
0x21: {  	s3 =	sadd.s32 s3, s9;
	s6 =	sadd.s32 @!p0 $0x88, s6;
	s7 =	simm.s32 @p2 $0x1082  }
0x22: {  	[simem:s7], [sflag:s8] =	dma.local @!p0 [hbm:s6], $0xF7A  }
0x23: {  	s9 =	sor.u32 $0xD0000000, s2;
	s6 =	simm.s32 $0x108;
	_ =	swait.ge @!p0 [sflag:s8], $0x0  }
0x24: {  	s3 =	sadd.s32 $0x88, s3;
	s6 =	simm.s32 @!p1 $0x1082;
	[sflag:s4] =	ssyncset.s32 $0xFFFFF086  }
0x25: {  	[simem:s6], [sflag:s4] =	dma.local [hbm:s3], $0xF7A  }
0x26: {  	[smem:$0x3F9B] =	sst s1;
	(tag) =	ssettag s2;
	_ =	strace s9  }
0x27: {  	s1 =	sld [smem:$0x3FAB]  }
0x28: {  	s2 =	sld [smem:$0x3FAC]  }
0x29: {  	s4 =	sld [smem:$0x3FAE]  }
0x2a: {  	p0 =	seq.s32 s5, $0x0;
	s5 =	sld [smem:$0x3FAF]  }
0x2b: {  	s6 =	sld [smem:$0x3FB0]  }
0x2c: {  	s7 =	sld [smem:$0x3FB1]  }
0x2d: {  	s3 =	simm.s32 $0x108;
	s8 =	sld [smem:$0x3FB2]  }
0x2e: {  	s3 =	simm.s32 @!p0 $0x1082;
	s9 =	sld [smem:$0x3FB3]  }
0x2f: {  	lr =	sadd.s32 s0, s3;
	s0 =	sld [smem:$0x3FAA]  }
0x30: {  	s3 =	sld [smem:$0x3FAD]  }
0x31: {  	[smem:$0x3FB6] =	sst s10  }
0x32: {  	s10 =	sld [smem:$0x3FB4];
	_ =	sdelay $0x3  }
0x33: {  	p0 =	seq.s32 s10, $0x1;
	s10 =	sld [smem:$0x3FB6];
	_ =	sdelay $0x3  }
0x34: {  	[smem:$0x3FB6] =	sst s10  }
0x35: {  	s10 =	sld [smem:$0x3FB5];
	_ =	sdelay $0x3  }
0x36: {  	p1 =	seq.s32 s10, $0x1;
	s10 =	sld [smem:$0x3FB6];
	_ =	sdelay $0x3  }
0x37: {  	[smem:$0x3FB6] =	sst s10  }
0x38: {  	s10 =	sld [smem:$0x3FB7]  }
0x39: {  	_ = 	snop;
	(pc) =	sbr.ind lr, $3  }
0x3a: {  	_ = 	snop  }
0x3b: {  	_ = 	snop  }
0x3c: {  	p2 =	seq.s32 s10, $0x1;
	s10 =	sld [smem:$0x3FB6]  }
0x3d: {  	_ =	shalt  }
0x3e: {  	_ =	shalt  }
0x3f: {  	_ =	shalt  }
0x40: {  	_ =	shalt  }
0x41: {  	_ =	shalt  }
0x42: {  	_ =	shalt  }
0x43: {  	_ =	shalt  }
0x44: {  	_ =	shalt  }
0x45: {  	_ =	shalt  }
0x46: {  	_ =	shalt  }
0x47: {  	_ =	shalt  }
0x48: {  	_ =	shalt  }
0x49: {  	_ =	shalt  }
0x4a: {  	_ =	shalt  }
0x4b: {  	_ =	shalt  }
0x4c: {  	_ =	shalt  }
0x4d: {  	_ =	shalt  }
0x4e: {  	_ =	shalt  }
0x4f: {  	_ =	shalt  }
0x50: {  	_ =	shalt  }
0x51: {  	_ =	shalt  }
0x52: {  	_ =	shalt  }
0x53: {  	_ =	shalt  }
0x54: {  	_ =	shalt  }
0x55: {  	_ =	shalt  }
0x56: {  	_ =	shalt  }
0x57: {  	_ =	shalt  }
0x58: {  	_ =	shalt  }
0x59: {  	_ =	shalt  }
0x5a: {  	_ =	shalt  }
0x5b: {  	_ =	shalt  }
0x5c: {  	_ =	shalt  }
0x5d: {  	_ =	shalt  }
0x5e: {  	_ =	shalt  }
0x5f: {  	_ =	shalt  }
0x60: {  	_ =	shalt  }
0x61: {  	_ =	shalt  }
0x62: {  	_ =	shalt  }
0x63: {  	_ =	shalt  }
0x64: {  	_ =	shalt  }
0x65: {  	_ =	shalt  }
0x66: {  	_ =	shalt  }
0x67: {  	_ =	shalt  }
0x68: {  	_ =	shalt  }
0x69: {  	_ =	shalt  }
0x6a: {  	_ =	shalt  }
0x6b: {  	_ =	shalt  }
0x6c: {  	_ =	shalt  }
0x6d: {  	_ =	shalt  }
0x6e: {  	_ =	shalt  }
0x6f: {  	_ =	shalt  }
0x70: {  	_ =	shalt  }
0x71: {  	_ =	shalt  }
0x72: {  	_ =	shalt  }
0x73: {  	_ =	shalt  }
0x74: {  	_ =	shalt  }
0x75: {  	_ =	shalt  }
0x76: {  	_ =	shalt  }
0x77: {  	_ =	shalt  }
0x78: {  	_ =	shalt  }
0x79: {  	_ =	shalt  }
0x7a: {  	_ =	shalt  }
0x7b: {  	_ =	shalt  }
0x7c: {  	_ =	shalt  }
0x7d: {  	_ =	shalt  }
0x7e: {  	_ =	shalt  }
0x7f: {  	_ =	shalt  }
0x80: {  	_ =	shalt  }
0x81: {  	_ =	shalt  }
0x82: {  	_ =	shalt  }
0x83: {  	_ =	shalt  }
0x84: {  	_ =	shalt  }
0x85: {  	_ =	shalt  }
0x86: {  	_ =	shalt  }
0x87: {  	_ =	shalt  }
.Lfunc_end0:
.L_simem_size_0:
called_computation_lowered:
.L_overlay_start_0:
0x88: {  	s2 =	sld [smem:$0x3FD9]  }
0x89: {  	s3 =	sld [smem:$0x3FFE];
	_ =	sdelay $0x1  }
0x8a: {  	s1 =	srdreg.scid  }
0x8b: {  	s0 =	sand.u32 $0x1, s1  }
0x8c: {  	s17 =	sshll.u32 s0, $0xA;
	s2 =	sadd.s32 s3, s2  }
0x8d: {  	s2 =	sadd.s32 s2, s17  }
0x8e: {  	[smem:$0x3FC2] =	sst s2  }
0x8f: {  	_ = 	snop  }
0x90: {  	s2 =	sld [smem:$0x3FD0];
	(tm) =	ssettm $0x1  }
0x91: {  	s18 =	sld [smem:$0x3FFB];
	_ =	sdelay $0x3  }
0x92: {  	_ =	strace s18  }
0x93: {  	s3 =	sld [smem:$0x3FFC];
	_ =	sdelay $0x3  }
0x94: {  	_ =	strace s3  }
0x95: {  	s3 =	sld [smem:$0x3FFD];
	_ =	sdelay $0x3  }
0x96: {  	_ =	strace s3  }
0x97: {  	_ =	strace $0x8FFFFFFF  }
0x98: {  	s19 =	sld [smem:$0x3FDB];
	_ =	sdelay $0x1  }
0x99: {  	s4 =	simm.s32 $_scs_section_size  }
0x9a: {  	s5 =	simm.s32 $_size__tile_overlayer_lowered;
	s6 =	simm.s32 $_tile_overlayer_lowered  }
0x9b: {  	s22 =	simm.s32 $0x1BFF;
	s21 =	sshll.u32 s6, $0x1;
	s3 =	sadd.s32 s4, s19  }
0x9c: {  	s7 =	simm.s32 $0x0;
	s20 =	sshll.u32 s5, $0x1;
	s5 =	sadd.s32 s21, s3  }
0x9d: {  	[timem:s7], [sflag:s22] =	dma.local [hbm:s5], s20  }
0x9e: {  	_ =	swait.ge [sflag:s22], s20  }
0x9f: {  	s4 =	ssub.s32 $0x0, s20;
	[sflag:s22] =	ssyncset.done $0x0  }
0xa0: {  	[sflag:s22] =	ssyncadd.s32 s4;
	_ =	sdelay $0x1  }
0xa1: {  	s23 =	simm.s32 $0x1B8B  }
0xa2: {  	_ =	swait.ge [sflag:s23], $0x1  }
0xa3: {  	[sflag:s23] =	ssyncset.done $0x0  }
0xa4: {  	s25 =	simm.s32 $0x1B8E;
	s24 =	sld [smem:$0x3FFE];
	[sflag:s23] =	ssyncadd.s32 $0xFFFFFFFF  }
0xa5: {  	s26 =	simm.s32 $execute0_lowered;
	[smem:$0x3FD2] =	sst s25  }
0xa6: {  	s5 =	sshll.u32 s26, $0x1;
	_ =	strace $0x80000046;
	[dreg:$0x1] =	wrdreg $0xFFFFFFFF  }
0xa7: {  	s28 =	simm.s32 $_size_execute0_lowered;
	s3 =	sadd.s32 s3, s5;
	[dreg:$0x0] =	wrdreg $0x0  }
0xa8: {  	s5 =	sshll.u32 s28, $0x1;
	[dreg:$0x2] =	wrdreg s3  }
0xa9: {  	[dreg:$0x3] =	wrdreg s5  }
0xaa: {  	[dreg:$0x4] =	wrdreg $0xC0  }
0xab: {  	_ =	task [dreg:s7], $0x5FFFF  }
0xac: {  	[dreg:$0x1] =	wrdreg $0xFFFFFFFF  }
0xad: {  	[dreg:$0x0] =	wrdreg $0x60  }
0xae: {  	[dreg:$0x2] =	wrdreg s24  }
0xaf: {  	[dreg:$0x3] =	wrdreg s2  }
0xb0: {  	[dreg:$0x4] =	wrdreg $0x9  }
0xb1: {  	_ =	task.clear_ibuf [dreg:s7], $0x5FFFF;
	_ =	strace $0x90000046  }
0xb2: {  	s29 =	simm.s32 $0x9;
	_ =	strace $0x80000048  }
0xb3: {  	_ =	swait.ge [sflag:s29], $0x1  }
0xb4: {  	[sflag:s29] =	ssyncadd.s32 $0xFFFFFFFF  }
0xb5: {  	_ =	strace $0x90000048  }
0xb6: {  	_ =	sfence  }
0xb7: {  	s30 =	sld [smem:$0x0];
	_ =	sdelay $0x2  }
0xb8: {  	s31 =	sshll.u32 s1, $0xD;
	s1 =	sshrl.u32 s1, $0x2  }
0xb9: {  	s3 =	sand.u32 $0x4000, s31;
	s1 =	sadd.s32 s1, s30  }
0xba: {  	s0 =	sor.u32 s3, s0;
	s1 =	sshll.u32 s1, $0x11  }
0xbb: {  	s0 =	sor.u32 s1, s0  }
0xbc: {  	s0 =	sadd.s32 $0x8F2B, s0  }
0xbd: {  	[sflag:s0] =	ssyncadd.remote.s32 $0x1  }
0xbe: {  	_ =	sfence.sel $0xFFFF  }
0xbf: {  	[dreg:$0x0] =	wrdreg $0xFFFFFFFF;
	(pc) =	sbr.abs _section_cstart, $3  }
0xc0: {  	[dreg:$0x1] =	wrdreg $0xFFFFFFFF  }
0xc1: {  	_ =	task.clear_ibuf [dreg:s7], $0x2FFFF;
	_ =	strace $0x9FFFFFFF  }
0xc2: {  	(tm) =	ssettm $0x7FFFFFFF  }
0xc3: {  	_ =	shalt  }
tec
execute0_lowered:
.L_overlay_start_1:
0x0: {  	(tag) =	ssettag $0x1  }
0x1: {  	s1 =	rddreg [dreg:$0x0]  }
0x2: {  	s2 =	rddreg [dreg:$0x1];
	s4 =	simm.s32 $0x0  }
0x3: {  	s0 =	srdreg.scid;
	s3 =	stileid.u32;
	s19 =	simm.s32 $0x7  }
0x4: {  	s28 =	simm.s32 $0x1;
	s29 =	simm.s32 $0x3;
	s30 =	simm.s32 $0x12BE0  }
0x5: {  	s31 =	simm.s32 $0x2;
	s20 =	simm.s32 $0x5;
	s21 =	simm.s32 $0x6  }
0x6: {  	[smem:$0x7FF] =	sst s4;
	s0 =	sand.u32 $0x1, s0;
	s6 =	sadd.s32 $0x6F400, s1  }
0x7: {  	s22 =	sadd.s32 $0x6E000, s1;
	_ =	strace $0x80000047;
	[dreg:$0x3] =	wrdreg s6  }
0x8: {  	s3 =	sshll.u32 s3, $0x1;
	s10 =	sadd.s32 $0x6F600, s1;
	[dreg:$0x4] =	wrdreg s22  }
0x9: {  	s5 =	sadd.s32 $0x64000, s1;
	s12 =	sadd.s32 $0x6F800, s1;
	[dreg:$0x5] =	wrdreg s10  }
0xa: {  	s3 =	sor.u32 s0, s3;
	s0 =	ssub.s32 $0x2, s0;
	[dreg:$0x6] =	wrdreg s12  }
0xb: {  	s22 =	simm.s32 $0x0;
	s8 =	sshll.u32 s3, $0x9;
	s23 =	smul.u32 $0x500, s3  }
0xc: {  	s7 =	smul.u32 $0x3200, s3;
	s24 =	sshrl.u32 s0, $0x1;
	s9 =	sor.u32 $0x40, s8  }
0xd: {  	s3 =	sshll.u32 s3, $0xB;
	s0 =	ssub.s32 s0, s24;
	s11 =	smul.u32 $0x14, s9  }
0xe: {  	s15 =	sadd.s32 s2, s3;
	s16 =	sor.u32 $0x80, s8;
	s9 =	smul.u32 $0x19, s9  }
.Ltmp0:
0xf: {  	s17 =	sor.u32 $0xC0, s8;
	s3 =	simm.s32 $0x133E0;
	(pc) =	sbr.rel .LBB2_1-.Ltmp0, $4  }
0x10: {  	s6 =	sadd.s32 s5, s23;
	s25 =	sadd.s32 s1, s7;
	s18 =	smax.u32 s0, $0x1  }
0x11: {  	s0 =	simm.s32 $0x4;
	[dreg:$0x7] =	wrdreg s6;
	s26 =	sshrl.u32 s11, $0x3  }
0x12: {  	v0 =	vlaneseq.u32;
	[dreg:$0x8] =	wrdreg s25;
	s25 =	simm.s32 $0xB0E0;
	s6 =	sadd.s32 s5, s26  }
0x13: {  	v1 =	vimm.f32 $0.0e+00;
	v0 =	vmul.u32 $0x20, v0;
	s14 =	sadd.s32 s1, s9;
	s26 =	simm.s32 $0xE7E0;
	[dreg:$0x9] =	wrdreg s6  }
.LBB2_12:
0x14: {  	s22 =	sadd.s32 $0x1, s22  }
0x15: {  	_ =	swait.ge [sflag:s20], $0x800;
	p0 =	sne.s32 s22, s18  }
.Ltmp1:
0x16: {  	[sflag:s20] =	ssyncset.done $0x0;
	(pc) =	sbr.rel @!p0 .LBB2_13-.Ltmp1, $4  }
0x17: {  	[sflag:s20] =	ssyncadd.s32 $0xFFFFF800  }
0x18: {  	_ =	swait.ge [sflag:s21], $0x800  }
0x19: {  	[sflag:s21] =	ssyncset.done $0x0  }
0x1a: {  	[sflag:s21] =	ssyncadd.s32 $0xFFFFF800  }
.LBB2_1:
0x1b: {  	s6 =	rddreg [dreg:$0x3]  }
0x1c: {  	[tilespmem:s4], [sflag:$0x7] =	stream.linear.gather [hbm4b:s6+s4], $0xFA0, $0x38;
	[tilespmem:$0x13BE0] =	vst v63  }
0x1d: {  	_ =	swait.ge [sflag:s19], $0xFA0  }
0x1e: {  	[sflag:s19] =	ssyncset.done $0x0  }
0x1f: {  	s7 =	simm.s32 $0xFA0;
	s13 =	rddreg [dreg:$0x4];
	[sflag:s19] =	ssyncadd.s32 $0xFFFFF060  }
0x20: {  	[tilespmem:s7], [sflag:$0x7] =	stream.linear.gather [hbm4b:s13+s4], $0x9C40, $0x38;
	[tilespmem:$0x13BE0] =	vst v63  }
0x21: {  	_ =	swait.ge [sflag:s19], $0x9C40  }
0x22: {  	[sflag:s19] =	ssyncset.done $0x0  }
0x23: {  	s24 =	simm.s32 $0x119E0;
	s23 =	rddreg [dreg:$0x5];
	[sflag:s19] =	ssyncadd.s32 $0xFFFF63C0  }
0x24: {  	[tilespmem:s24], [sflag:$0x7] =	stream.linear.gather [hbm4b:s23+s4], $0x1000, $0x38;
	[tilespmem:$0x13BE0] =	vst v63  }
0x25: {  	_ =	swait.ge [sflag:s19], $0x1000  }
0x26: {  	[sflag:s19] =	ssyncset.done $0x0  }
0x27: {  	s10 =	simm.s32 $0x129E0;
	s9 =	rddreg [dreg:$0x6];
	[sflag:s19] =	ssyncadd.s32 $0xFFFFF000  }
0x28: {  	[tilespmem:s10], [sflag:$0x7] =	stream.linear.gather [hbm4b:s9+s4], $0x200, $0x38;
	[tilespmem:$0x13BE0] =	vst v63  }
0x29: {  	_ =	swait.ge [sflag:s19], $0x200  }
0x2a: {  	[sflag:s19] =	ssyncset.done $0x0  }
0x2b: {  	s12 =	simm.s32 $0xABE0;
	s11 =	rddreg [dreg:$0x7];
	[sflag:s19] =	ssyncadd.s32 $0xFFFFFE00  }
0x2c: {  	[tilespmem:s12], [sflag:$0x1] =	stream.linear.gather [hbm4b:s11+s4], $0x500, $0x38;
	[tilespmem:$0x13BE0] =	vst v63  }
0x2d: {  	s23 =	simm.s32 $0xB5E0;
	s13 =	rddreg [dreg:$0x8]  }
0x2e: {  	[tilespmem:s23], [sflag:$0x3] =	stream.linear.gather [hbm4b:s13+s4], $0x3200, $0x38;
	[tilespmem:$0x13BE0] =	vst v63  }
0x2f: {  	s24 =	rddreg [dreg:$0x9]  }
0x30: {  	[tilespmem:s25], [sflag:$0x2] =	stream.linear.gather [hbm4b:s24+s4], $0x500, $0x38;
	[tilespmem:$0x13BE0] =	vst v63  }
0x31: {  	s23 =	simm.s32 $0x0  }
0x32: {  	[tilespmem:s26], [sflag:$0x4] =	stream.linear.gather [hbm4b:s14+s4], $0x3200, $0x38;
	[tilespmem:$0x13BE0] =	vst v63  }
.LBB2_2:
0x33: {  	_ =	swait.ge [sflag:s28], $0x500  }
0x34: {  	[sflag:s28] =	ssyncset.done $0x0  }
0x35: {  	[sflag:s28] =	ssyncadd.s32 $0xFFFFFB00  }
0x36: {  	_ =	swait.ge [sflag:s29], $0x3200  }
0x37: {  	p0 =	seq.s32 s23, $0x0;
	[sflag:s29] =	ssyncset.done $0x0  }
0x38: {  	s6 =	simm.s32 @!p0 $0x5;
	[sflag:s29] =	ssyncadd.s32 $0xFFFFCE00  }
0x39: {  	_ =	swait.ge @!p0 [sflag:s6], $0x800  }
0x3a: {  	s24 =	sshll.u32 s23, $0x7;
	[sflag:s6] =	ssyncset.done @!p0 $0x0  }
0x3b: {  	s7 =	simm.s32 $0x0;
	[sflag:s6] =	ssyncadd.s32 @!p0 $0xFFFFF800;
	s6 =	simm.s32 $0x0  }
.LBB2_3:
0x3c: {  	v2 =	vmov s6  }
0x3d: {  	s9 =	simm.s32 $0x1;
	v2 =	vand.u32 $0x1C, v2  }
0x3e: {  	s10 =	sshll.u32 s7, $0x9;
	s11 =	simm.s32 $0x2;
	v4 =	vmov s9;
	v3 =	vbroadcast v2, $0x0  }
0x3f: {  	v5 =	vmov s11;
	v2 =	vor.u32 s10, v0;
	v4 =	vand.u32 $0x1D, v4  }
0x40: {  	s9 =	simm.s32 $0x4;
	v6 =	vor.u32 v2, v3;
	v3 =	vbroadcast v4, $0x0;
	v4 =	vand.u32 $0x1E, v5  }
0x41: {  	v5 =	vmov s9;
	v4 =	vbroadcast v4, $0x0  }
0x42: {  	v5 =	vand.u32 $0x1C, v5;
	v3 =	vor.u32 v2, v3  }
0x43: {  	s12 =	simm.s32 $0x5;
	s11 =	simm.s32 $0x3;
	v7 =	vbroadcast v5, $0x0;
	v4 =	vor.u32 v2, v4  }
0x44: {  	s13 =	simm.s32 $0x6;
	v8 =	vmov s12;
	v5 =	vor.u32 s11, v2  }
0x45: {  	v9 =	vmov s13;
	v8 =	vand.u32 $0x1D, v8;
	[tilespmem:v6+s30+$0x0] =	vst.idx.msk $0xffff, v1;
	v6 =	vor.u32 v2, v7  }
0x46: {  	s10 =	simm.s32 $0x8;
	v7 =	vbroadcast v8, $0x0;
	v8 =	vand.u32 $0x1E, v9  }
.LBB2_4:
0x47: {  	v9 =	vmov s10;
	v8 =	vbroadcast v8, $0x0;
	[tilespmem:v3+s30+$0x0] =	vst.idx.msk $0xffff, v1;
	p1 =	slt.u32 s10, $0x1C  }
.Ltmp2:
0x48: {  	v9 =	vand.u32 $0x1C, v9;
	v3 =	vor.u32 v2, v7;
	[tilespmem:v4+s30+$0x0] =	vst.idx.msk $0xffff, v1;
	(pc) =	sbr.rel @p1 .LBB2_4-.Ltmp2, $4  }
0x49: {  	s11 =	sadd.s32 $0x1, s10;
	s12 =	sadd.s32 $0x3, s9;
	s9 =	smov.u32 s10;
	v7 =	vbroadcast v9, $0x0;
	v4 =	vor.u32 v2, v8;
	[tilespmem:v5+s30+$0x0] =	vst.idx.msk $0xffff, v1  }
0x4a: {  	v8 =	vmov s11;
	s11 =	sadd.s32 $0x2, s10;
	v5 =	vor.u32 s12, v2;
	[tilespmem:v6+s30+$0x0] =	vst.idx.msk $0xffff, v1  }
0x4b: {  	s10 =	sadd.s32 $0x4, s10;
	v6 =	vor.u32 v2, v7;
	v7 =	vand.u32 $0x1D, v8;
	v8 =	vmov s11  }
0x4c: {  	v7 =	vbroadcast v7, $0x0;
	v8 =	vand.u32 $0x1E, v8  }
0x4d: {  	_ =	sdelay $0x1  }
0x4e: {  	v8 =	vbroadcast v8, $0x0  }
0x4f: {  	v7 =	vor.u32 v2, v7  }
0x50: {  	[tilespmem:v3+s30+$0x0] =	vst.idx.msk $0xffff, v1;
	s9 =	sadd.s32 $0x3, s9;
	s7 =	sadd.s32 $0x1, s7;
	v3 =	vor.u32 v2, v8  }
0x51: {  	[tilespmem:v4+s30+$0x0] =	vst.idx.msk $0xffff, v1;
	p1 =	sne.s32 s7, $0x4;
	v2 =	vor.u32 s9, v2  }
.Ltmp3:
0x52: {  	[tilespmem:v5+s30+$0x0] =	vst.idx.msk $0xffff, v1;
	(pc) =	sbr.rel @p1 .LBB2_3-.Ltmp3, $4  }
0x53: {  	[tilespmem:v6+s30+$0x0] =	vst.idx.msk $0xffff, v1  }
0x54: {  	[tilespmem:v7+s30+$0x0] =	vst.idx.msk $0xffff, v1  }
0x55: {  	[tilespmem:v3+s30+$0x0] =	vst.idx.msk $0xffff, v1  }
0x56: {  	[tilespmem:v2+s30+$0x0] =	vst.idx.msk $0xffff, v1  }
0x57: {  	p1 =	seq.s32 s23, $0x3  }
0x58: {  	s6 =	sshll.u32 s23, $0x9;
	s7 =	sadd.s32 @!p1 s24, s16  }
0x59: {  	s6 =	sadd.s32 s6, s15;
	s9 =	smul.u32 @!p1 $0x14, s7  }
0x5a: {  	[hbm4b:s6+s4] =	stream.linear.scatter [tilespmem:s30], [sflag:$0x5], $0x800, $0x38;
	[tilespmem:$0x13BE0] =	vst v63  }
0x5b: {  	s10 =	simm.s32 @!p1 $0xABE0;
	s6 =	sshrl.u32 @!p1 s9, $0x3  }
0x5c: {  	s7 =	smul.u32 @!p1 $0x19, s7;
	s9 =	simm.s32 @!p1 $0x0;
	s6 =	sadd.s32 @!p1 s5, s6  }
0x5d: {  	[tilespmem:s10], [sflag:$0x1] =	stream.linear.gather @!p1 [hbm4b:s6+s9], $0x500, $0x38;
	[tilespmem:$0x13BE0] =	vst v63  }
0x5e: {  	s6 =	sadd.s32 @!p1 s1, s7;
	s7 =	simm.s32 @!p1 $0xB5E0  }
0x5f: {  	[tilespmem:s7], [sflag:$0x3] =	stream.linear.gather @!p1 [hbm4b:s6+s9], $0x3200, $0x38;
	[tilespmem:$0x13BE0] =	vst v63  }
0x60: {  	_ =	swait.ge [sflag:s31], $0x500  }
0x61: {  	[sflag:s31] =	ssyncset.done $0x0  }
0x62: {  	[sflag:s31] =	ssyncadd.s32 $0xFFFFFB00  }
0x63: {  	_ =	swait.ge [sflag:s0], $0x3200  }
0x64: {  	[sflag:s0] =	ssyncset.done $0x0  }
0x65: {  	s7 =	simm.s32 @!p0 $0x6;
	[sflag:s0] =	ssyncadd.s32 $0xFFFFCE00  }
0x66: {  	s13 =	sadd.s32 s24, s8;
	_ =	swait.ge @!p0 [sflag:s7], $0x800  }
0x67: {  	s6 =	sadd.s32 $0x40, s13;
	[sflag:s7] =	ssyncset.done @!p0 $0x0  }
0x68: {  	s9 =	simm.s32 $0x0;
	[sflag:s7] =	ssyncadd.s32 @!p0 $0xFFFFF800;
	s7 =	simm.s32 $0x0  }
.LBB2_7:
0x69: {  	v2 =	vmov s7  }
0x6a: {  	s10 =	simm.s32 $0x1;
	v2 =	vand.u32 $0x1C, v2  }
0x6b: {  	s11 =	sshll.u32 s9, $0x9;
	s12 =	simm.s32 $0x2;
	v4 =	vmov s10;
	v3 =	vbroadcast v2, $0x0  }
0x6c: {  	v5 =	vmov s12;
	v2 =	vor.u32 s11, v0;
	v4 =	vand.u32 $0x1D, v4  }
0x6d: {  	s10 =	simm.s32 $0x4;
	v6 =	vor.u32 v2, v3;
	v3 =	vbroadcast v4, $0x0;
	v4 =	vand.u32 $0x1E, v5  }
0x6e: {  	v5 =	vmov s10;
	v4 =	vbroadcast v4, $0x0  }
0x6f: {  	v5 =	vand.u32 $0x1C, v5;
	v3 =	vor.u32 v2, v3  }
0x70: {  	s13 =	simm.s32 $0x5;
	s12 =	simm.s32 $0x3;
	v7 =	vbroadcast v5, $0x0;
	v4 =	vor.u32 v2, v4  }
0x71: {  	v8 =	vmov s13;
	s13 =	simm.s32 $0x6;
	v5 =	vor.u32 s12, v2  }
0x72: {  	v8 =	vand.u32 $0x1D, v8;
	v9 =	vmov s13;
	[tilespmem:v6+s3+$0x0] =	vst.idx.msk $0xffff, v1;
	v6 =	vor.u32 v2, v7  }
0x73: {  	s11 =	simm.s32 $0x8;
	v7 =	vbroadcast v8, $0x0;
	v8 =	vand.u32 $0x1E, v9  }
.LBB2_8:
0x74: {  	v9 =	vmov s11;
	v8 =	vbroadcast v8, $0x0;
	[tilespmem:v3+s3+$0x0] =	vst.idx.msk $0xffff, v1;
	p0 =	slt.u32 s11, $0x1C  }
.Ltmp4:
0x75: {  	v9 =	vand.u32 $0x1C, v9;
	v3 =	vor.u32 v2, v7;
	[tilespmem:v4+s3+$0x0] =	vst.idx.msk $0xffff, v1;
	(pc) =	sbr.rel @p0 .LBB2_8-.Ltmp4, $4  }
0x76: {  	s12 =	sadd.s32 $0x1, s11;
	s13 =	sadd.s32 $0x3, s10;
	s10 =	smov.u32 s11;
	v7 =	vbroadcast v9, $0x0;
	v4 =	vor.u32 v2, v8;
	[tilespmem:v5+s3+$0x0] =	vst.idx.msk $0xffff, v1  }
0x77: {  	v8 =	vmov s12;
	s12 =	sadd.s32 $0x2, s11;
	v5 =	vor.u32 s13, v2;
	[tilespmem:v6+s3+$0x0] =	vst.idx.msk $0xffff, v1  }
0x78: {  	s11 =	sadd.s32 $0x4, s11;
	v6 =	vor.u32 v2, v7;
	v7 =	vand.u32 $0x1D, v8;
	v8 =	vmov s12  }
0x79: {  	v7 =	vbroadcast v7, $0x0;
	v8 =	vand.u32 $0x1E, v8  }
0x7a: {  	_ =	sdelay $0x1  }
0x7b: {  	v8 =	vbroadcast v8, $0x0  }
0x7c: {  	v7 =	vor.u32 v2, v7  }
0x7d: {  	[tilespmem:v3+s3+$0x0] =	vst.idx.msk $0xffff, v1;
	s10 =	sadd.s32 $0x3, s10;
	s9 =	sadd.s32 $0x1, s9;
	v3 =	vor.u32 v2, v8  }
0x7e: {  	[tilespmem:v4+s3+$0x0] =	vst.idx.msk $0xffff, v1;
	p0 =	sne.s32 s9, $0x4;
	v2 =	vor.u32 s10, v2  }
.Ltmp5:
0x7f: {  	[tilespmem:v5+s3+$0x0] =	vst.idx.msk $0xffff, v1;
	(pc) =	sbr.rel @p0 .LBB2_7-.Ltmp5, $4  }
0x80: {  	[tilespmem:v6+s3+$0x0] =	vst.idx.msk $0xffff, v1  }
0x81: {  	[tilespmem:v7+s3+$0x0] =	vst.idx.msk $0xffff, v1  }
0x82: {  	[tilespmem:v3+s3+$0x0] =	vst.idx.msk $0xffff, v1  }
0x83: {  	[tilespmem:v2+s3+$0x0] =	vst.idx.msk $0xffff, v1  }
.Ltmp6:
0x84: {  	(pc) =	sbr.rel @p1 .LBB2_12-.Ltmp6, $4  }
0x85: {  	s6 =	sshll.u32 s6, $0x2  }
0x86: {  	s6 =	sand.u32 $0x1FFFFF00, s6  }
0x87: {  	s6 =	sadd.s32 s2, s6  }
0x88: {  	[hbm4b:s6+s4] =	stream.linear.scatter [tilespmem:s3], [sflag:$0x6], $0x800, $0x38;
	[tilespmem:$0x13BE0] =	vst v63  }
0x89: {  	s6 =	sadd.s32 s24, s17  }
0x8a: {  	s7 =	smul.u32 $0x14, s6;
	_ =	sdelay $0x1  }
.Ltmp7:
0x8b: {  	s7 =	sshrl.u32 s7, $0x3;
	(pc) =	sbr.rel .LBB2_2-.Ltmp7, $4  }
0x8c: {  	s6 =	smul.u32 $0x19, s6;
	s7 =	sadd.s32 s5, s7  }
0x8d: {  	[tilespmem:s25], [sflag:$0x2] =	stream.linear.gather [hbm4b:s7+s4], $0x500, $0x38;
	[tilespmem:$0x13BE0] =	vst v63  }
0x8e: {  	s23 =	sadd.s32 $0x1, s23;
	s6 =	sadd.s32 s1, s6  }
0x8f: {  	[tilespmem:s26], [sflag:$0x4] =	stream.linear.gather [hbm4b:s6+s4], $0x3200, $0x38;
	[tilespmem:$0x13BE0] =	vst v63  }
.LBB2_13:
0x90: {  	_ =	sfence.sel $0x180000  }
0x91: {  	[bflag:$0x0] =	sbarrier.arrive $0xFFFF  }
0x92: {  	_ =	strace $0x90000047  }
0x93: {  	s0 =	stileid.u32;
	[bflag:$0x2] =	sbarrier.arrive $0xFFFF  }
0x94: {  	p0 =	sne.s32 s0, $0x0;
	s0 =	rddreg [dreg:$0x2]  }
0x95: {  	s0 =	sadd.s32 @!p0 $0x100000, s0  }
0x96: {  	[sflag:s0] =	ssyncadd.tile.s32 @!p0 $0x1;
	_ =	shalt  }
.Lfunc_end2:
_tile_overlayer_lowered:
.L_overlay_start_2:
0x97: {  	(tag) =	ssettag $0x2  }
0x98: {  	s0 =	rddreg [dreg:$0x0];
	s2 =	stileid.u32  }
0x99: {  	s1 =	rddreg [dreg:$0x1];
	p0 =	sne.s32 s2, $0x0  }
0x9a: {  	s3 =	rddreg [dreg:$0x2];
	[bflag:$0x3] =	sbarrier.arrive $0xFFFF;
	s2 =	simm.s32 @!p0 $0x1C07  }
0x9b: {  	[timem:s3], [sflag:s2] =	dma.local @!p0 [hbm:s0], s1  }
0x9c: {  	s0 =	simm.s32 @!p0 $0x7  }
0x9d: {  	_ =	swait.ge @!p0 [sflag:s0], s1  }
0x9e: {  	s1 =	ssub.s32 @!p0 $0x0, s1;
	[sflag:s0] =	ssyncset.done @!p0 $0x0  }
0x9f: {  	[sflag:s0] =	ssyncadd.s32 @!p0 s1  }
0xa0: {  	[bflag:$0x3] =	sbarrier.arrive $0xFFFF  }
0xa1: {  	_ =	shalt  }

</sc_bundles>
